<compile_context>
chip_gen: v7x
topology: tpu7x:2x2x1
jax: 0.10.2.dev20260603
libtpu: 0.0.44.dev20260713+nightly
codegen_flags: <defaults>
</compile_context>

<pallas_src>
import functools

import jax
import jax.numpy as jnp
from jax import lax
from jax.experimental import pallas as pl
from jax.experimental.pallas import tpu as pltpu
from jax.experimental.pallas import tpu_sc as plsc

B = 1024
SS = 50
DX = 128
E = 178
ROWS = 2 * SS - 1
NODD = SS - 1
NW = 32
BPW = B // NW
L = 16
OV = E - DX
HOT = DX - OV

OFF99 = (0, 16, 32, 48, 64, 80, 83)
OFF128 = (0, 16, 32, 48, 64, 80, 96, 112)
NBLK = 112


def _sc_call(exf, labp, tab_a, tab_b):
    mesh = plsc.VectorSubcoreMesh(core_axis_name="c", subcore_axis_name="s")

    @functools.partial(
        pl.kernel,
        mesh=mesh,
        out_type=(
            jax.ShapeDtypeStruct((B * ROWS, DX), jnp.float32),
            jax.ShapeDtypeStruct((B * ROWS, DX), jnp.float32),
        ),
        compiler_params=pltpu.CompilerParams(use_tc_tiling_on_sc=False),
        scratch_types=[
            pltpu.VMEM((BPW, DX), jnp.int32),
            pltpu.VMEM((NBLK, DX), jnp.float32),
            pltpu.VMEM((NBLK, DX), jnp.float32),
            pltpu.VMEM((NBLK, DX), jnp.float32),
            pltpu.VMEM((NBLK, DX), jnp.float32),
            pltpu.VMEM((BPW, ROWS), jnp.int32),
        ],
    )
    def k(exf_hbm, lab_hbm, ta_hbm, tb_hbm, outa_hbm, outb_hbm,
          lab_v, ca0_v, ca1_v, cb0_v, cb1_v, ids_v):
        wid = lax.axis_index("s") * 2 + lax.axis_index("c")
        b0 = wid * BPW
        lanes = lax.iota(jnp.int32, L)

        pltpu.sync_copy(lab_hbm.at[pl.ds(b0, BPW)], lab_v.at[...])

        def posrow(s, _):
            for off in OFF128:
                col = off + lanes
                v = jnp.where(col == HOT + s, 1.0, 0.0).astype(jnp.float32)
                cb0_v[s, pl.ds(off, L)] = v
                cb1_v[s, pl.ds(off, L)] = v
            return 0
        lax.fori_loop(0, SS, posrow, 0)

        def idrow(j, _):
            base = (b0 + j) * ROWS
            for off in OFF99:
                col = off + lanes
                ids_v[j, pl.ds(off, L)] = base + jnp.where(
                    col < SS, 2 * col, 2 * (col - SS) + 1)
            return 0
        lax.fori_loop(0, BPW, idrow, 0)

        def fire_in(j, ca, cb, isem):
            pltpu.async_copy(ta_hbm.at[lab_v.at[j, pl.ds(0, 56)]],
                             ca.at[pl.ds(SS, 56)], isem)
            pltpu.async_copy(tb_hbm.at[lab_v.at[j, pl.ds(0, 56)]],
                             cb.at[pl.ds(SS, 56)], isem)
            pltpu.async_copy(exf_hbm.at[pl.ds((b0 + j) * SS, SS)],
                             ca.at[pl.ds(0, SS)], isem)

        def drain_in(j, ca, cb, isem):
            pltpu.make_async_copy(ta_hbm.at[lab_v.at[j, pl.ds(0, 56)]],
                                  ca.at[pl.ds(SS, 56)], isem).wait()
            pltpu.make_async_copy(tb_hbm.at[lab_v.at[j, pl.ds(0, 56)]],
                                  cb.at[pl.ds(SS, 56)], isem).wait()
            pltpu.make_async_copy(exf_hbm.at[pl.ds((b0 + j) * SS, SS)],
                                  ca.at[pl.ds(0, SS)], isem).wait()

        def fire_out(j, ca, cb, osem):
            pltpu.async_copy(ca.at[pl.ds(0, ROWS)],
                             outa_hbm.at[ids_v.at[j]], osem)
            pltpu.async_copy(cb.at[pl.ds(0, ROWS)],
                             outb_hbm.at[ids_v.at[j]], osem)

        def drain_out(j, ca, cb, osem):
            pltpu.make_async_copy(ca.at[pl.ds(0, ROWS)],
                                  outa_hbm.at[ids_v.at[j]], osem).wait()
            pltpu.make_async_copy(cb.at[pl.ds(0, ROWS)],
                                  outb_hbm.at[ids_v.at[j]], osem).wait()

        def pipeline(i0, i1, o0, o1):
            fire_in(0, ca0_v, cb0_v, i0)
            drain_in(0, ca0_v, cb0_v, i0)
            fire_out(0, ca0_v, cb0_v, o0)
            fire_in(1, ca1_v, cb1_v, i1)
            drain_in(1, ca1_v, cb1_v, i1)
            fire_out(1, ca1_v, cb1_v, o1)
            drain_out(0, ca0_v, cb0_v, o0)
            fire_in(2, ca0_v, cb0_v, i0)

            def body(i, _):
                j0 = 2 * i
                j1 = 2 * i + 1
                drain_in(j0, ca0_v, cb0_v, i0)
                fire_out(j0, ca0_v, cb0_v, o0)
                drain_out(j1 - 2, ca1_v, cb1_v, o1)
                fire_in(j0 + 1, ca1_v, cb1_v, i1)
                drain_in(j1, ca1_v, cb1_v, i1)
                fire_out(j1, ca1_v, cb1_v, o1)
                drain_out(j1 - 1, ca0_v, cb0_v, o0)
                fire_in(j1 + 1, ca0_v, cb0_v, i0)
                return 0
            lax.fori_loop(1, BPW // 2 - 1, body, 0)

            j = BPW - 2
            drain_in(j, ca0_v, cb0_v, i0)
            fire_out(j, ca0_v, cb0_v, o0)
            drain_out(j - 1, ca1_v, cb1_v, o1)
            fire_in(j + 1, ca1_v, cb1_v, i1)
            drain_in(j + 1, ca1_v, cb1_v, i1)
            fire_out(j + 1, ca1_v, cb1_v, o1)
            drain_out(j, ca0_v, cb0_v, o0)
            drain_out(j + 1, ca1_v, cb1_v, o1)

        pl.run_scoped(pipeline,
                      pltpu.SemaphoreType.DMA(()), pltpu.SemaphoreType.DMA(()),
                      pltpu.SemaphoreType.DMA(()), pltpu.SemaphoreType.DMA(()))

    return k(exf, labp, tab_a, tab_b)


def kernel(examples, labels, label_embs):
    lab32 = labels.astype(jnp.int32)
    one = (1 + lab32[0, 0] * 0).astype(jnp.float32)
    exf = examples.reshape(B * SS, DX) * one
    labp = jnp.concatenate([lab32, lab32, lab32[:, : DX - 2 * SS]], axis=1)
    tab_a = label_embs[:, :DX]
    tab_b = label_embs[:, OV:E]
    outa, outb = _sc_call(exf, labp, tab_a, tab_b)
    hh = jnp.concatenate([outa, outb[:, HOT:]], axis=1)
    return hh.reshape(B, ROWS, E)

# --- scband reference (transcript-rebuilt; emitter-appended) ---
"""Pipeline reference for scband-input-embedder-63385127354854 (READ-ONLY COPY).

The authoritative reference and input builder live on the scoring server;
editing this copy changes nothing except your own understanding.
"""

import jax, jax.numpy as jnp
import numpy as np

D_VOCAB = 100000
D_EMB = 178
P_DIM = 50


def setup_inputs(seed: int = 0) -> dict:
    key = jax.random.key(seed)
    k1, k2, k3 = jax.random.split(key, 3)
    examples = jax.random.normal(k1, (1024, 50, 128), dtype=jnp.float32)
    labels = jax.random.randint(k2, (1024, 50), 0, D_VOCAB)
    label_embs = jax.random.normal(k3, (D_VOCAB, D_EMB), dtype=jnp.float32)
    return {"examples": examples, "labels": labels, "label_embs": label_embs}


def reference(examples, labels, label_embs):
    B, SS, D = examples.shape
    # positional one-hot encoding, repeated over batch (cast to example dtype for concat)
    pos_enc = jax.nn.one_hot(jnp.arange(SS), P_DIM, dtype=examples.dtype)
    pos_enc = jnp.broadcast_to(pos_enc[None, :, :], (B, SS, P_DIM))
    h_example = jnp.concatenate([examples, pos_enc], axis=2)  # [B, SS, D + P_DIM] == [B, SS, D_EMB]
    # embedding gather
    h_label = label_embs[labels]  # [B, SS, D_EMB]
    E = h_example.shape[2]
    hh = jnp.zeros((B, 2 * SS - 1, E), dtype=h_example.dtype)
    hh = hh.at[:, 0::2].set(h_example)
    hh = hh.at[:, 1::2].set(h_label[:, :-1])
    return hh

if __name__ == "__main__":
    import jax
    _d = setup_inputs()
    print(jax.jit(kernel)(*tuple(_d.values())))

</pallas_src>

<mosaic_0001>
#map = affine_map<(d0, d1) -> (0, 0)>
module attributes {stable_mosaic.version = 14 : i64} {
  func.func @k(%arg0: i32, %arg1: i32, %arg2: memref<51200x128xf32, #tpu.memory_space<hbm>>, %arg3: memref<1024x128xi32, #tpu.memory_space<hbm>>, %arg4: memref<100000x128xf32, #tpu.memory_space<hbm>>, %arg5: memref<100000x128xf32, #tpu.memory_space<hbm>>, %arg6: memref<101376x128xf32, #tpu.memory_space<hbm>>, %arg7: memref<101376x128xf32, #tpu.memory_space<hbm>>, %arg8: memref<32x128xi32, #tpu.memory_space<vmem>>, %arg9: memref<112x128xf32, #tpu.memory_space<vmem>>, %arg10: memref<112x128xf32, #tpu.memory_space<vmem>>, %arg11: memref<112x128xf32, #tpu.memory_space<vmem>>, %arg12: memref<112x128xf32, #tpu.memory_space<vmem>>, %arg13: memref<32x99xi32, #tpu.memory_space<vmem>>) attributes {dimension_semantics = [#tpu.dimension_semantics<core_parallel>, #tpu.dimension_semantics<subcore_parallel>], iteration_bounds = array<i64: 2, 16>, scalar_prefetch = 0 : i64, scratch_operands = 6 : i64, tpu.core_type = #tpu.core_type<sc_vector_subcore>, window_params = [{transform_indices = #map}, {transform_indices = #map}, {transform_indices = #map}, {transform_indices = #map}, {transform_indices = #map}, {transform_indices = #map}]} {
    %mul3A = arith.constant 2 : i32
    %mul3A_0 = arith.muli %arg1, %mul3A : i32
    %add3A = arith.addi %mul3A_0, %arg0 : i32
    %mul3A_1 = arith.constant 32 : i32
    %mul3A_2 = arith.muli %add3A, %mul3A_1 : i32
    %iota3A = tpu.iota {dimensions = array<i32: 0>} : vector<16xi32>
    "tpu.region"() ({
      %run_scoped3A = tpu.sem_alloc : memref<!tpu.dma_semaphore, #tpu.memory_space<semaphore_mem>>
      %dma_start3A = arith.constant 0 : i32
      %dma_start3A_16 = arith.constant 0 : i32
      %dma_start3A_17 = tpu.memref_slice %arg8[%dma_start3A, %dma_start3A_16] : memref<32x128xi32, #tpu.memory_space<vmem>> -> memref<32x128xi32, #tpu.memory_space<vmem>>
      %dma_start3A_18 = arith.constant 0 : i32
      %dma_start3A_19 = tpu.memref_slice %arg3[%mul3A_2, %dma_start3A_18] : memref<1024x128xi32, #tpu.memory_space<hbm>> -> memref<32x128xi32, #tpu.memory_space<hbm>>
      %dma_start3A_20 = arith.constant 0 : i32
      %dma_start3A_21 = arith.constant 0 : i32
      %dma_start3A_22 = tpu.memref_slice %arg8[%dma_start3A_20, %dma_start3A_21] : memref<32x128xi32, #tpu.memory_space<vmem>> -> memref<32x128xi32, #tpu.memory_space<vmem>>
      %dma_start3A_23 = arith.constant 0 : i32
      %dma_start3A_24 = tpu.memref_slice %arg3[%mul3A_2, %dma_start3A_23] : memref<1024x128xi32, #tpu.memory_space<hbm>> -> memref<32x128xi32, #tpu.memory_space<hbm>>
      tpu.enqueue_dma source(%dma_start3A_24 : memref<32x128xi32, #tpu.memory_space<hbm>>) target(%dma_start3A_22 : memref<32x128xi32, #tpu.memory_space<vmem>>) target_semaphore(%run_scoped3A : memref<!tpu.dma_semaphore, #tpu.memory_space<semaphore_mem>>)
      %dma_wait3A = arith.constant 0 : i32
      %dma_wait3A_25 = arith.constant 0 : i32
      %dma_wait3A_26 = tpu.memref_slice %arg8[%dma_wait3A, %dma_wait3A_25] : memref<32x128xi32, #tpu.memory_space<vmem>> -> memref<32x128xi32, #tpu.memory_space<vmem>>
      %dma_wait3A_27 = arith.constant 0 : i32
      %dma_wait3A_28 = tpu.memref_slice %arg3[%mul3A_2, %dma_wait3A_27] : memref<1024x128xi32, #tpu.memory_space<hbm>> -> memref<32x128xi32, #tpu.memory_space<hbm>>
      %dma_wait3A_29 = arith.constant 0 : i32
      %dma_wait3A_30 = arith.constant 0 : i32
      %dma_wait3A_31 = tpu.memref_slice %arg8[%dma_wait3A_29, %dma_wait3A_30] : memref<32x128xi32, #tpu.memory_space<vmem>> -> memref<32x128xi32, #tpu.memory_space<vmem>>
      %dma_wait3A_32 = arith.constant 0 : i32
      %dma_wait3A_33 = tpu.memref_slice %arg3[%mul3A_2, %dma_wait3A_32] : memref<1024x128xi32, #tpu.memory_space<hbm>> -> memref<32x128xi32, #tpu.memory_space<hbm>>
      tpu.wait_dma2 semaphore(%run_scoped3A : memref<!tpu.dma_semaphore, #tpu.memory_space<semaphore_mem>>) src(%dma_wait3A_33 : memref<32x128xi32, #tpu.memory_space<hbm>>) dst(%dma_wait3A_31 : memref<32x128xi32, #tpu.memory_space<vmem>>)
      tpu.yield
    }) : () -> ()
    %scan3A = arith.constant 0 : i32
    %scan3A_3 = arith.constant 0 : i32
    %scan3A_4 = arith.constant 50 : i32
    %scan3A_5 = arith.addi %scan3A_3, %scan3A_4 : i32
    %scan3A_6 = arith.constant 1 : i32
    %scan3A_7 = scf.for %scan3A_16 = %scan3A_3 to %scan3A_5 step %scan3A_6 iter_args(%scan3A_17 = %scan3A) -> (i32)  : i32 {
      %add3A_18 = arith.constant 0 : i32
      %add3A_19 = vector.broadcast %add3A_18 : i32 to vector<16xi32>
      %add3A_20 = arith.addi %add3A_19, %iota3A : vector<16xi32>
      %add3A_21 = arith.constant 78 : i32
      %add3A_22 = arith.addi %add3A_21, %scan3A_16 : i32
      %eq3A = vector.broadcast %add3A_22 : i32 to vector<16xi32>
      %eq3A_23 = arith.cmpi eq, %add3A_20, %eq3A : vector<16xi32>
      %jit3A = arith.constant 1.000000e+00 : f32
      %jit3A_24 = arith.constant 0.000000e+00 : f32
      %broadcast_in_dim3A = vector.broadcast %jit3A : f32 to vector<16xf32>
      %broadcast_in_dim3A_25 = vector.broadcast %jit3A_24 : f32 to vector<16xf32>
      %select_n3A = arith.select %eq3A_23, %broadcast_in_dim3A, %broadcast_in_dim3A_25 : vector<16xi1>, vector<16xf32>
      %swap3A = arith.index_cast %scan3A_16 : i32 to index
      %swap3A_26 = arith.constant 0 : index
      %swap3A_27 = tpu.vector_load %arg11[%swap3A, %swap3A_26] {strides = array<i32>} : memref<112x128xf32, #tpu.memory_space<vmem>>, vector<1x16xf32>,
      %swap3A_28 = vector.shape_cast %swap3A_27 : vector<1x16xf32> to vector<16xf32>
      %swap3A_29 = vector.shape_cast %select_n3A : vector<16xf32> to vector<1x16xf32>
      tpu.vector_store %arg11[%swap3A, %swap3A_26], %swap3A_29 {strides = array<i32>} : memref<112x128xf32, #tpu.memory_space<vmem>>, vector<1x16xf32>,
      %swap3A_30 = arith.index_cast %scan3A_16 : i32 to index
      %swap3A_31 = arith.constant 0 : index
      %swap3A_32 = tpu.vector_load %arg12[%swap3A_30, %swap3A_31] {strides = array<i32>} : memref<112x128xf32, #tpu.memory_space<vmem>>, vector<1x16xf32>,
      %swap3A_33 = vector.shape_cast %swap3A_32 : vector<1x16xf32> to vector<16xf32>
      %swap3A_34 = vector.shape_cast %select_n3A : vector<16xf32> to vector<1x16xf32>
      tpu.vector_store %arg12[%swap3A_30, %swap3A_31], %swap3A_34 {strides = array<i32>} : memref<112x128xf32, #tpu.memory_space<vmem>>, vector<1x16xf32>,
      %add3A_35 = arith.constant 16 : i32
      %add3A_36 = vector.broadcast %add3A_35 : i32 to vector<16xi32>
      %add3A_37 = arith.addi %add3A_36, %iota3A : vector<16xi32>
      %add3A_38 = arith.constant 78 : i32
      %add3A_39 = arith.addi %add3A_38, %scan3A_16 : i32
      %eq3A_40 = vector.broadcast %add3A_39 : i32 to vector<16xi32>
      %eq3A_41 = arith.cmpi eq, %add3A_37, %eq3A_40 : vector<16xi32>
      %jit3A_42 = arith.constant 1.000000e+00 : f32
      %jit3A_43 = arith.constant 0.000000e+00 : f32
      %broadcast_in_dim3A_44 = vector.broadcast %jit3A_42 : f32 to vector<16xf32>
      %broadcast_in_dim3A_45 = vector.broadcast %jit3A_43 : f32 to vector<16xf32>
      %select_n3A_46 = arith.select %eq3A_41, %broadcast_in_dim3A_44, %broadcast_in_dim3A_45 : vector<16xi1>, vector<16xf32>
      %swap3A_47 = arith.index_cast %scan3A_16 : i32 to index
      %swap3A_48 = arith.constant 16 : index
      %swap3A_49 = tpu.vector_load %arg11[%swap3A_47, %swap3A_48] {strides = array<i32>} : memref<112x128xf32, #tpu.memory_space<vmem>>, vector<1x16xf32>,
      %swap3A_50 = vector.shape_cast %swap3A_49 : vector<1x16xf32> to vector<16xf32>
      %swap3A_51 = vector.shape_cast %select_n3A_46 : vector<16xf32> to vector<1x16xf32>
      tpu.vector_store %arg11[%swap3A_47, %swap3A_48], %swap3A_51 {strides = array<i32>} : memref<112x128xf32, #tpu.memory_space<vmem>>, vector<1x16xf32>,
      %swap3A_52 = arith.index_cast %scan3A_16 : i32 to index
      %swap3A_53 = arith.constant 16 : index
      %swap3A_54 = tpu.vector_load %arg12[%swap3A_52, %swap3A_53] {strides = array<i32>} : memref<112x128xf32, #tpu.memory_space<vmem>>, vector<1x16xf32>,
      %swap3A_55 = vector.shape_cast %swap3A_54 : vector<1x16xf32> to vector<16xf32>
      %swap3A_56 = vector.shape_cast %select_n3A_46 : vector<16xf32> to vector<1x16xf32>
      tpu.vector_store %arg12[%swap3A_52, %swap3A_53], %swap3A_56 {strides = array<i32>} : memref<112x128xf32, #tpu.memory_space<vmem>>, vector<1x16xf32>,
      %add3A_57 = arith.constant 32 : i32
      %add3A_58 = vector.broadcast %add3A_57 : i32 to vector<16xi32>
      %add3A_59 = arith.addi %add3A_58, %iota3A : vector<16xi32>
      %add3A_60 = arith.constant 78 : i32
      %add3A_61 = arith.addi %add3A_60, %scan3A_16 : i32
      %eq3A_62 = vector.broadcast %add3A_61 : i32 to vector<16xi32>
      %eq3A_63 = arith.cmpi eq, %add3A_59, %eq3A_62 : vector<16xi32>
      %jit3A_64 = arith.constant 1.000000e+00 : f32
      %jit3A_65 = arith.constant 0.000000e+00 : f32
      %broadcast_in_dim3A_66 = vector.broadcast %jit3A_64 : f32 to vector<16xf32>
      %broadcast_in_dim3A_67 = vector.broadcast %jit3A_65 : f32 to vector<16xf32>
      %select_n3A_68 = arith.select %eq3A_63, %broadcast_in_dim3A_66, %broadcast_in_dim3A_67 : vector<16xi1>, vector<16xf32>
      %swap3A_69 = arith.index_cast %scan3A_16 : i32 to index
      %swap3A_70 = arith.constant 32 : index
      %swap3A_71 = tpu.vector_load %arg11[%swap3A_69, %swap3A_70] {strides = array<i32>} : memref<112x128xf32, #tpu.memory_space<vmem>>, vector<1x16xf32>,
      %swap3A_72 = vector.shape_cast %swap3A_71 : vector<1x16xf32> to vector<16xf32>
      %swap3A_73 = vector.shape_cast %select_n3A_68 : vector<16xf32> to vector<1x16xf32>
      tpu.vector_store %arg11[%swap3A_69, %swap3A_70], %swap3A_73 {strides = array<i32>} : memref<112x128xf32, #tpu.memory_space<vmem>>, vector<1x16xf32>,
      %swap3A_74 = arith.index_cast %scan3A_16 : i32 to index
      %swap3A_75 = arith.constant 32 : index
      %swap3A_76 = tpu.vector_load %arg12[%swap3A_74, %swap3A_75] {strides = array<i32>} : memref<112x128xf32, #tpu.memory_space<vmem>>, vector<1x16xf32>,
      %swap3A_77 = vector.shape_cast %swap3A_76 : vector<1x16xf32> to vector<16xf32>
      %swap3A_78 = vector.shape_cast %select_n3A_68 : vector<16xf32> to vector<1x16xf32>
      tpu.vector_store %arg12[%swap3A_74, %swap3A_75], %swap3A_78 {strides = array<i32>} : memref<112x128xf32, #tpu.memory_space<vmem>>, vector<1x16xf32>,
      %add3A_79 = arith.constant 48 : i32
      %add3A_80 = vector.broadcast %add3A_79 : i32 to vector<16xi32>
      %add3A_81 = arith.addi %add3A_80, %iota3A : vector<16xi32>
      %add3A_82 = arith.constant 78 : i32
      %add3A_83 = arith.addi %add3A_82, %scan3A_16 : i32
      %eq3A_84 = vector.broadcast %add3A_83 : i32 to vector<16xi32>
      %eq3A_85 = arith.cmpi eq, %add3A_81, %eq3A_84 : vector<16xi32>
      %jit3A_86 = arith.constant 1.000000e+00 : f32
      %jit3A_87 = arith.constant 0.000000e+00 : f32
      %broadcast_in_dim3A_88 = vector.broadcast %jit3A_86 : f32 to vector<16xf32>
      %broadcast_in_dim3A_89 = vector.broadcast %jit3A_87 : f32 to vector<16xf32>
      %select_n3A_90 = arith.select %eq3A_85, %broadcast_in_dim3A_88, %broadcast_in_dim3A_89 : vector<16xi1>, vector<16xf32>
      %swap3A_91 = arith.index_cast %scan3A_16 : i32 to index
      %swap3A_92 = arith.constant 48 : index
      %swap3A_93 = tpu.vector_load %arg11[%swap3A_91, %swap3A_92] {strides = array<i32>} : memref<112x128xf32, #tpu.memory_space<vmem>>, vector<1x16xf32>,
      %swap3A_94 = vector.shape_cast %swap3A_93 : vector<1x16xf32> to vector<16xf32>
      %swap3A_95 = vector.shape_cast %select_n3A_90 : vector<16xf32> to vector<1x16xf32>
      tpu.vector_store %arg11[%swap3A_91, %swap3A_92], %swap3A_95 {strides = array<i32>} : memref<112x128xf32, #tpu.memory_space<vmem>>, vector<1x16xf32>,
      %swap3A_96 = arith.index_cast %scan3A_16 : i32 to index
      %swap3A_97 = arith.constant 48 : index
      %swap3A_98 = tpu.vector_load %arg12[%swap3A_96, %swap3A_97] {strides = array<i32>} : memref<112x128xf32, #tpu.memory_space<vmem>>, vector<1x16xf32>,
      %swap3A_99 = vector.shape_cast %swap3A_98 : vector<1x16xf32> to vector<16xf32>
      %swap3A_100 = vector.shape_cast %select_n3A_90 : vector<16xf32> to vector<1x16xf32>
      tpu.vector_store %arg12[%swap3A_96, %swap3A_97], %swap3A_100 {strides = array<i32>} : memref<112x128xf32, #tpu.memory_space<vmem>>, vector<1x16xf32>,
      %add3A_101 = arith.constant 64 : i32
      %add3A_102 = vector.broadcast %add3A_101 : i32 to vector<16xi32>
      %add3A_103 = arith.addi %add3A_102, %iota3A : vector<16xi32>
      %add3A_104 = arith.constant 78 : i32
      %add3A_105 = arith.addi %add3A_104, %scan3A_16 : i32
      %eq3A_106 = vector.broadcast %add3A_105 : i32 to vector<16xi32>
      %eq3A_107 = arith.cmpi eq, %add3A_103, %eq3A_106 : vector<16xi32>
      %jit3A_108 = arith.constant 1.000000e+00 : f32
      %jit3A_109 = arith.constant 0.000000e+00 : f32
      %broadcast_in_dim3A_110 = vector.broadcast %jit3A_108 : f32 to vector<16xf32>
      %broadcast_in_dim3A_111 = vector.broadcast %jit3A_109 : f32 to vector<16xf32>
      %select_n3A_112 = arith.select %eq3A_107, %broadcast_in_dim3A_110, %broadcast_in_dim3A_111 : vector<16xi1>, vector<16xf32>
      %swap3A_113 = arith.index_cast %scan3A_16 : i32 to index
      %swap3A_114 = arith.constant 64 : index
      %swap3A_115 = tpu.vector_load %arg11[%swap3A_113, %swap3A_114] {strides = array<i32>} : memref<112x128xf32, #tpu.memory_space<vmem>>, vector<1x16xf32>,
      %swap3A_116 = vector.shape_cast %swap3A_115 : vector<1x16xf32> to vector<16xf32>
      %swap3A_117 = vector.shape_cast %select_n3A_112 : vector<16xf32> to vector<1x16xf32>
      tpu.vector_store %arg11[%swap3A_113, %swap3A_114], %swap3A_117 {strides = array<i32>} : memref<112x128xf32, #tpu.memory_space<vmem>>, vector<1x16xf32>,
      %swap3A_118 = arith.index_cast %scan3A_16 : i32 to index
      %swap3A_119 = arith.constant 64 : index
      %swap3A_120 = tpu.vector_load %arg12[%swap3A_118, %swap3A_119] {strides = array<i32>} : memref<112x128xf32, #tpu.memory_space<vmem>>, vector<1x16xf32>,
      %swap3A_121 = vector.shape_cast %swap3A_120 : vector<1x16xf32> to vector<16xf32>
      %swap3A_122 = vector.shape_cast %select_n3A_112 : vector<16xf32> to vector<1x16xf32>
      tpu.vector_store %arg12[%swap3A_118, %swap3A_119], %swap3A_122 {strides = array<i32>} : memref<112x128xf32, #tpu.memory_space<vmem>>, vector<1x16xf32>,
      %add3A_123 = arith.constant 80 : i32
      %add3A_124 = vector.broadcast %add3A_123 : i32 to vector<16xi32>
      %add3A_125 = arith.addi %add3A_124, %iota3A : vector<16xi32>
      %add3A_126 = arith.constant 78 : i32
      %add3A_127 = arith.addi %add3A_126, %scan3A_16 : i32
      %eq3A_128 = vector.broadcast %add3A_127 : i32 to vector<16xi32>
      %eq3A_129 = arith.cmpi eq, %add3A_125, %eq3A_128 : vector<16xi32>
      %jit3A_130 = arith.constant 1.000000e+00 : f32
      %jit3A_131 = arith.constant 0.000000e+00 : f32
      %broadcast_in_dim3A_132 = vector.broadcast %jit3A_130 : f32 to vector<16xf32>
      %broadcast_in_dim3A_133 = vector.broadcast %jit3A_131 : f32 to vector<16xf32>
      %select_n3A_134 = arith.select %eq3A_129, %broadcast_in_dim3A_132, %broadcast_in_dim3A_133 : vector<16xi1>, vector<16xf32>
      %swap3A_135 = arith.index_cast %scan3A_16 : i32 to index
      %swap3A_136 = arith.constant 80 : index
      %swap3A_137 = tpu.vector_load %arg11[%swap3A_135, %swap3A_136] {strides = array<i32>} : memref<112x128xf32, #tpu.memory_space<vmem>>, vector<1x16xf32>,
      %swap3A_138 = vector.shape_cast %swap3A_137 : vector<1x16xf32> to vector<16xf32>
      %swap3A_139 = vector.shape_cast %select_n3A_134 : vector<16xf32> to vector<1x16xf32>
      tpu.vector_store %arg11[%swap3A_135, %swap3A_136], %swap3A_139 {strides = array<i32>} : memref<112x128xf32, #tpu.memory_space<vmem>>, vector<1x16xf32>,
      %swap3A_140 = arith.index_cast %scan3A_16 : i32 to index
      %swap3A_141 = arith.constant 80 : index
      %swap3A_142 = tpu.vector_load %arg12[%swap3A_140, %swap3A_141] {strides = array<i32>} : memref<112x128xf32, #tpu.memory_space<vmem>>, vector<1x16xf32>,
      %swap3A_143 = vector.shape_cast %swap3A_142 : vector<1x16xf32> to vector<16xf32>
      %swap3A_144 = vector.shape_cast %select_n3A_134 : vector<16xf32> to vector<1x16xf32>
      tpu.vector_store %arg12[%swap3A_140, %swap3A_141], %swap3A_144 {strides = array<i32>} : memref<112x128xf32, #tpu.memory_space<vmem>>, vector<1x16xf32>,
      %add3A_145 = arith.constant 96 : i32
      %add3A_146 = vector.broadcast %add3A_145 : i32 to vector<16xi32>
      %add3A_147 = arith.addi %add3A_146, %iota3A : vector<16xi32>
      %add3A_148 = arith.constant 78 : i32
      %add3A_149 = arith.addi %add3A_148, %scan3A_16 : i32
      %eq3A_150 = vector.broadcast %add3A_149 : i32 to vector<16xi32>
      %eq3A_151 = arith.cmpi eq, %add3A_147, %eq3A_150 : vector<16xi32>
      %jit3A_152 = arith.constant 1.000000e+00 : f32
      %jit3A_153 = arith.constant 0.000000e+00 : f32
      %broadcast_in_dim3A_154 = vector.broadcast %jit3A_152 : f32 to vector<16xf32>
      %broadcast_in_dim3A_155 = vector.broadcast %jit3A_153 : f32 to vector<16xf32>
      %select_n3A_156 = arith.select %eq3A_151, %broadcast_in_dim3A_154, %broadcast_in_dim3A_155 : vector<16xi1>, vector<16xf32>
      %swap3A_157 = arith.index_cast %scan3A_16 : i32 to index
      %swap3A_158 = arith.constant 96 : index
      %swap3A_159 = tpu.vector_load %arg11[%swap3A_157, %swap3A_158] {strides = array<i32>} : memref<112x128xf32, #tpu.memory_space<vmem>>, vector<1x16xf32>,
      %swap3A_160 = vector.shape_cast %swap3A_159 : vector<1x16xf32> to vector<16xf32>
      %swap3A_161 = vector.shape_cast %select_n3A_156 : vector<16xf32> to vector<1x16xf32>
      tpu.vector_store %arg11[%swap3A_157, %swap3A_158], %swap3A_161 {strides = array<i32>} : memref<112x128xf32, #tpu.memory_space<vmem>>, vector<1x16xf32>,
      %swap3A_162 = arith.index_cast %scan3A_16 : i32 to index
      %swap3A_163 = arith.constant 96 : index
      %swap3A_164 = tpu.vector_load %arg12[%swap3A_162, %swap3A_163] {strides = array<i32>} : memref<112x128xf32, #tpu.memory_space<vmem>>, vector<1x16xf32>,
      %swap3A_165 = vector.shape_cast %swap3A_164 : vector<1x16xf32> to vector<16xf32>
      %swap3A_166 = vector.shape_cast %select_n3A_156 : vector<16xf32> to vector<1x16xf32>
      tpu.vector_store %arg12[%swap3A_162, %swap3A_163], %swap3A_166 {strides = array<i32>} : memref<112x128xf32, #tpu.memory_space<vmem>>, vector<1x16xf32>,
      %add3A_167 = arith.constant 112 : i32
      %add3A_168 = vector.broadcast %add3A_167 : i32 to vector<16xi32>
      %add3A_169 = arith.addi %add3A_168, %iota3A : vector<16xi32>
      %add3A_170 = arith.constant 78 : i32
      %add3A_171 = arith.addi %add3A_170, %scan3A_16 : i32
      %eq3A_172 = vector.broadcast %add3A_171 : i32 to vector<16xi32>
      %eq3A_173 = arith.cmpi eq, %add3A_169, %eq3A_172 : vector<16xi32>
      %jit3A_174 = arith.constant 1.000000e+00 : f32
      %jit3A_175 = arith.constant 0.000000e+00 : f32
      %broadcast_in_dim3A_176 = vector.broadcast %jit3A_174 : f32 to vector<16xf32>
      %broadcast_in_dim3A_177 = vector.broadcast %jit3A_175 : f32 to vector<16xf32>
      %select_n3A_178 = arith.select %eq3A_173, %broadcast_in_dim3A_176, %broadcast_in_dim3A_177 : vector<16xi1>, vector<16xf32>
      %swap3A_179 = arith.index_cast %scan3A_16 : i32 to index
      %swap3A_180 = arith.constant 112 : index
      %swap3A_181 = tpu.vector_load %arg11[%swap3A_179, %swap3A_180] {strides = array<i32>} : memref<112x128xf32, #tpu.memory_space<vmem>>, vector<1x16xf32>,
      %swap3A_182 = vector.shape_cast %swap3A_181 : vector<1x16xf32> to vector<16xf32>
      %swap3A_183 = vector.shape_cast %select_n3A_178 : vector<16xf32> to vector<1x16xf32>
      tpu.vector_store %arg11[%swap3A_179, %swap3A_180], %swap3A_183 {strides = array<i32>} : memref<112x128xf32, #tpu.memory_space<vmem>>, vector<1x16xf32>,
      %swap3A_184 = arith.index_cast %scan3A_16 : i32 to index
      %swap3A_185 = arith.constant 112 : index
      %swap3A_186 = tpu.vector_load %arg12[%swap3A_184, %swap3A_185] {strides = array<i32>} : memref<112x128xf32, #tpu.memory_space<vmem>>, vector<1x16xf32>,
      %swap3A_187 = vector.shape_cast %swap3A_186 : vector<1x16xf32> to vector<16xf32>
      %swap3A_188 = vector.shape_cast %select_n3A_178 : vector<16xf32> to vector<1x16xf32>
      tpu.vector_store %arg12[%swap3A_184, %swap3A_185], %swap3A_188 {strides = array<i32>} : memref<112x128xf32, #tpu.memory_space<vmem>>, vector<1x16xf32>,
      %scan3A_189 = arith.constant 0 : i32
      scf.yield %scan3A_189 : i32
    }
    %scan3A_8 = arith.constant 50 : i32
    %scan3A_9 = arith.constant 0 : i32
    %scan3A_10 = arith.constant 0 : i32
    %scan3A_11 = arith.constant 32 : i32
    %scan3A_12 = arith.addi %scan3A_10, %scan3A_11 : i32
    %scan3A_13 = arith.constant 1 : i32
    %scan3A_14 = scf.for %scan3A_16 = %scan3A_10 to %scan3A_12 step %scan3A_13 iter_args(%scan3A_17 = %scan3A_9) -> (i32)  : i32 {
      %add3A_18 = arith.addi %mul3A_2, %scan3A_16 : i32
      %mul3A_19 = arith.constant 99 : i32
      %mul3A_20 = arith.muli %add3A_18, %mul3A_19 : i32
      %add3A_21 = arith.constant 0 : i32
      %add3A_22 = vector.broadcast %add3A_21 : i32 to vector<16xi32>
      %add3A_23 = arith.addi %add3A_22, %iota3A : vector<16xi32>
      %lt3A = arith.constant 50 : i32
      %lt3A_24 = vector.broadcast %lt3A : i32 to vector<16xi32>
      %lt3A_25 = arith.cmpi slt, %add3A_23, %lt3A_24 : vector<16xi32>
      %mul3A_26 = arith.constant 2 : i32
      %mul3A_27 = vector.broadcast %mul3A_26 : i32 to vector<16xi32>
      %mul3A_28 = arith.muli %mul3A_27, %add3A_23 : vector<16xi32>
      %sub3A = arith.constant 50 : i32
      %sub3A_29 = vector.broadcast %sub3A : i32 to vector<16xi32>
      %sub3A_30 = arith.subi %add3A_23, %sub3A_29 : vector<16xi32>
      %mul3A_31 = arith.constant 2 : i32
      %mul3A_32 = vector.broadcast %mul3A_31 : i32 to vector<16xi32>
      %mul3A_33 = arith.muli %mul3A_32, %sub3A_30 : vector<16xi32>
      %add3A_34 = arith.constant 1 : i32
      %add3A_35 = vector.broadcast %add3A_34 : i32 to vector<16xi32>
      %add3A_36 = arith.addi %mul3A_33, %add3A_35 : vector<16xi32>
      %select_n3A = arith.select %lt3A_25, %mul3A_28, %add3A_36 : vector<16xi1>, vector<16xi32>
      %add3A_37 = vector.broadcast %mul3A_20 : i32 to vector<16xi32>
      %add3A_38 = arith.addi %add3A_37, %select_n3A : vector<16xi32>
      %swap3A = arith.index_cast %scan3A_16 : i32 to index
      %swap3A_39 = arith.constant 0 : index
      %swap3A_40 = tpu.vector_load %arg13[%swap3A, %swap3A_39] {strides = array<i32>} : memref<32x99xi32, #tpu.memory_space<vmem>>, vector<1x16xi32>,
      %swap3A_41 = vector.shape_cast %swap3A_40 : vector<1x16xi32> to vector<16xi32>
      %swap3A_42 = vector.shape_cast %add3A_38 : vector<16xi32> to vector<1x16xi32>
      tpu.vector_store %arg13[%swap3A, %swap3A_39], %swap3A_42 {strides = array<i32>} : memref<32x99xi32, #tpu.memory_space<vmem>>, vector<1x16xi32>,
      %add3A_43 = arith.constant 16 : i32
      %add3A_44 = vector.broadcast %add3A_43 : i32 to vector<16xi32>
      %add3A_45 = arith.addi %add3A_44, %iota3A : vector<16xi32>
      %lt3A_46 = arith.constant 50 : i32
      %lt3A_47 = vector.broadcast %lt3A_46 : i32 to vector<16xi32>
      %lt3A_48 = arith.cmpi slt, %add3A_45, %lt3A_47 : vector<16xi32>
      %mul3A_49 = arith.constant 2 : i32
      %mul3A_50 = vector.broadcast %mul3A_49 : i32 to vector<16xi32>
      %mul3A_51 = arith.muli %mul3A_50, %add3A_45 : vector<16xi32>
      %sub3A_52 = arith.constant 50 : i32
      %sub3A_53 = vector.broadcast %sub3A_52 : i32 to vector<16xi32>
      %sub3A_54 = arith.subi %add3A_45, %sub3A_53 : vector<16xi32>
      %mul3A_55 = arith.constant 2 : i32
      %mul3A_56 = vector.broadcast %mul3A_55 : i32 to vector<16xi32>
      %mul3A_57 = arith.muli %mul3A_56, %sub3A_54 : vector<16xi32>
      %add3A_58 = arith.constant 1 : i32
      %add3A_59 = vector.broadcast %add3A_58 : i32 to vector<16xi32>
      %add3A_60 = arith.addi %mul3A_57, %add3A_59 : vector<16xi32>
      %select_n3A_61 = arith.select %lt3A_48, %mul3A_51, %add3A_60 : vector<16xi1>, vector<16xi32>
      %add3A_62 = vector.broadcast %mul3A_20 : i32 to vector<16xi32>
      %add3A_63 = arith.addi %add3A_62, %select_n3A_61 : vector<16xi32>
      %swap3A_64 = arith.index_cast %scan3A_16 : i32 to index
      %swap3A_65 = arith.constant 16 : index
      %swap3A_66 = tpu.vector_load %arg13[%swap3A_64, %swap3A_65] {strides = array<i32>} : memref<32x99xi32, #tpu.memory_space<vmem>>, vector<1x16xi32>,
      %swap3A_67 = vector.shape_cast %swap3A_66 : vector<1x16xi32> to vector<16xi32>
      %swap3A_68 = vector.shape_cast %add3A_63 : vector<16xi32> to vector<1x16xi32>
      tpu.vector_store %arg13[%swap3A_64, %swap3A_65], %swap3A_68 {strides = array<i32>} : memref<32x99xi32, #tpu.memory_space<vmem>>, vector<1x16xi32>,
      %add3A_69 = arith.constant 32 : i32
      %add3A_70 = vector.broadcast %add3A_69 : i32 to vector<16xi32>
      %add3A_71 = arith.addi %add3A_70, %iota3A : vector<16xi32>
      %lt3A_72 = arith.constant 50 : i32
      %lt3A_73 = vector.broadcast %lt3A_72 : i32 to vector<16xi32>
      %lt3A_74 = arith.cmpi slt, %add3A_71, %lt3A_73 : vector<16xi32>
      %mul3A_75 = arith.constant 2 : i32
      %mul3A_76 = vector.broadcast %mul3A_75 : i32 to vector<16xi32>
      %mul3A_77 = arith.muli %mul3A_76, %add3A_71 : vector<16xi32>
      %sub3A_78 = arith.constant 50 : i32
      %sub3A_79 = vector.broadcast %sub3A_78 : i32 to vector<16xi32>
      %sub3A_80 = arith.subi %add3A_71, %sub3A_79 : vector<16xi32>
      %mul3A_81 = arith.constant 2 : i32
      %mul3A_82 = vector.broadcast %mul3A_81 : i32 to vector<16xi32>
      %mul3A_83 = arith.muli %mul3A_82, %sub3A_80 : vector<16xi32>
      %add3A_84 = arith.constant 1 : i32
      %add3A_85 = vector.broadcast %add3A_84 : i32 to vector<16xi32>
      %add3A_86 = arith.addi %mul3A_83, %add3A_85 : vector<16xi32>
      %select_n3A_87 = arith.select %lt3A_74, %mul3A_77, %add3A_86 : vector<16xi1>, vector<16xi32>
      %add3A_88 = vector.broadcast %mul3A_20 : i32 to vector<16xi32>
      %add3A_89 = arith.addi %add3A_88, %select_n3A_87 : vector<16xi32>
      %swap3A_90 = arith.index_cast %scan3A_16 : i32 to index
      %swap3A_91 = arith.constant 32 : index
      %swap3A_92 = tpu.vector_load %arg13[%swap3A_90, %swap3A_91] {strides = array<i32>} : memref<32x99xi32, #tpu.memory_space<vmem>>, vector<1x16xi32>,
      %swap3A_93 = vector.shape_cast %swap3A_92 : vector<1x16xi32> to vector<16xi32>
      %swap3A_94 = vector.shape_cast %add3A_89 : vector<16xi32> to vector<1x16xi32>
      tpu.vector_store %arg13[%swap3A_90, %swap3A_91], %swap3A_94 {strides = array<i32>} : memref<32x99xi32, #tpu.memory_space<vmem>>, vector<1x16xi32>,
      %add3A_95 = arith.constant 48 : i32
      %add3A_96 = vector.broadcast %add3A_95 : i32 to vector<16xi32>
      %add3A_97 = arith.addi %add3A_96, %iota3A : vector<16xi32>
      %lt3A_98 = arith.constant 50 : i32
      %lt3A_99 = vector.broadcast %lt3A_98 : i32 to vector<16xi32>
      %lt3A_100 = arith.cmpi slt, %add3A_97, %lt3A_99 : vector<16xi32>
      %mul3A_101 = arith.constant 2 : i32
      %mul3A_102 = vector.broadcast %mul3A_101 : i32 to vector<16xi32>
      %mul3A_103 = arith.muli %mul3A_102, %add3A_97 : vector<16xi32>
      %sub3A_104 = arith.constant 50 : i32
      %sub3A_105 = vector.broadcast %sub3A_104 : i32 to vector<16xi32>
      %sub3A_106 = arith.subi %add3A_97, %sub3A_105 : vector<16xi32>
      %mul3A_107 = arith.constant 2 : i32
      %mul3A_108 = vector.broadcast %mul3A_107 : i32 to vector<16xi32>
      %mul3A_109 = arith.muli %mul3A_108, %sub3A_106 : vector<16xi32>
      %add3A_110 = arith.constant 1 : i32
      %add3A_111 = vector.broadcast %add3A_110 : i32 to vector<16xi32>
      %add3A_112 = arith.addi %mul3A_109, %add3A_111 : vector<16xi32>
      %select_n3A_113 = arith.select %lt3A_100, %mul3A_103, %add3A_112 : vector<16xi1>, vector<16xi32>
      %add3A_114 = vector.broadcast %mul3A_20 : i32 to vector<16xi32>
      %add3A_115 = arith.addi %add3A_114, %select_n3A_113 : vector<16xi32>
      %swap3A_116 = arith.index_cast %scan3A_16 : i32 to index
      %swap3A_117 = arith.constant 48 : index
      %swap3A_118 = tpu.vector_load %arg13[%swap3A_116, %swap3A_117] {strides = array<i32>} : memref<32x99xi32, #tpu.memory_space<vmem>>, vector<1x16xi32>,
      %swap3A_119 = vector.shape_cast %swap3A_118 : vector<1x16xi32> to vector<16xi32>
      %swap3A_120 = vector.shape_cast %add3A_115 : vector<16xi32> to vector<1x16xi32>
      tpu.vector_store %arg13[%swap3A_116, %swap3A_117], %swap3A_120 {strides = array<i32>} : memref<32x99xi32, #tpu.memory_space<vmem>>, vector<1x16xi32>,
      %add3A_121 = arith.constant 64 : i32
      %add3A_122 = vector.broadcast %add3A_121 : i32 to vector<16xi32>
      %add3A_123 = arith.addi %add3A_122, %iota3A : vector<16xi32>
      %lt3A_124 = arith.constant 50 : i32
      %lt3A_125 = vector.broadcast %lt3A_124 : i32 to vector<16xi32>
      %lt3A_126 = arith.cmpi slt, %add3A_123, %lt3A_125 : vector<16xi32>
      %mul3A_127 = arith.constant 2 : i32
      %mul3A_128 = vector.broadcast %mul3A_127 : i32 to vector<16xi32>
      %mul3A_129 = arith.muli %mul3A_128, %add3A_123 : vector<16xi32>
      %sub3A_130 = arith.constant 50 : i32
      %sub3A_131 = vector.broadcast %sub3A_130 : i32 to vector<16xi32>
      %sub3A_132 = arith.subi %add3A_123, %sub3A_131 : vector<16xi32>
      %mul3A_133 = arith.constant 2 : i32
      %mul3A_134 = vector.broadcast %mul3A_133 : i32 to vector<16xi32>
      %mul3A_135 = arith.muli %mul3A_134, %sub3A_132 : vector<16xi32>
      %add3A_136 = arith.constant 1 : i32
      %add3A_137 = vector.broadcast %add3A_136 : i32 to vector<16xi32>
      %add3A_138 = arith.addi %mul3A_135, %add3A_137 : vector<16xi32>
      %select_n3A_139 = arith.select %lt3A_126, %mul3A_129, %add3A_138 : vector<16xi1>, vector<16xi32>
      %add3A_140 = vector.broadcast %mul3A_20 : i32 to vector<16xi32>
      %add3A_141 = arith.addi %add3A_140, %select_n3A_139 : vector<16xi32>
      %swap3A_142 = arith.index_cast %scan3A_16 : i32 to index
      %swap3A_143 = arith.constant 64 : index
      %swap3A_144 = tpu.vector_load %arg13[%swap3A_142, %swap3A_143] {strides = array<i32>} : memref<32x99xi32, #tpu.memory_space<vmem>>, vector<1x16xi32>,
      %swap3A_145 = vector.shape_cast %swap3A_144 : vector<1x16xi32> to vector<16xi32>
      %swap3A_146 = vector.shape_cast %add3A_141 : vector<16xi32> to vector<1x16xi32>
      tpu.vector_store %arg13[%swap3A_142, %swap3A_143], %swap3A_146 {strides = array<i32>} : memref<32x99xi32, #tpu.memory_space<vmem>>, vector<1x16xi32>,
      %add3A_147 = arith.constant 80 : i32
      %add3A_148 = vector.broadcast %add3A_147 : i32 to vector<16xi32>
      %add3A_149 = arith.addi %add3A_148, %iota3A : vector<16xi32>
      %lt3A_150 = arith.constant 50 : i32
      %lt3A_151 = vector.broadcast %lt3A_150 : i32 to vector<16xi32>
      %lt3A_152 = arith.cmpi slt, %add3A_149, %lt3A_151 : vector<16xi32>
      %mul3A_153 = arith.constant 2 : i32
      %mul3A_154 = vector.broadcast %mul3A_153 : i32 to vector<16xi32>
      %mul3A_155 = arith.muli %mul3A_154, %add3A_149 : vector<16xi32>
      %sub3A_156 = arith.constant 50 : i32
      %sub3A_157 = vector.broadcast %sub3A_156 : i32 to vector<16xi32>
      %sub3A_158 = arith.subi %add3A_149, %sub3A_157 : vector<16xi32>
      %mul3A_159 = arith.constant 2 : i32
      %mul3A_160 = vector.broadcast %mul3A_159 : i32 to vector<16xi32>
      %mul3A_161 = arith.muli %mul3A_160, %sub3A_158 : vector<16xi32>
      %add3A_162 = arith.constant 1 : i32
      %add3A_163 = vector.broadcast %add3A_162 : i32 to vector<16xi32>
      %add3A_164 = arith.addi %mul3A_161, %add3A_163 : vector<16xi32>
      %select_n3A_165 = arith.select %lt3A_152, %mul3A_155, %add3A_164 : vector<16xi1>, vector<16xi32>
      %add3A_166 = vector.broadcast %mul3A_20 : i32 to vector<16xi32>
      %add3A_167 = arith.addi %add3A_166, %select_n3A_165 : vector<16xi32>
      %swap3A_168 = arith.index_cast %scan3A_16 : i32 to index
      %swap3A_169 = arith.constant 80 : index
      %swap3A_170 = tpu.vector_load %arg13[%swap3A_168, %swap3A_169] {strides = array<i32>} : memref<32x99xi32, #tpu.memory_space<vmem>>, vector<1x16xi32>,
      %swap3A_171 = vector.shape_cast %swap3A_170 : vector<1x16xi32> to vector<16xi32>
      %swap3A_172 = vector.shape_cast %add3A_167 : vector<16xi32> to vector<1x16xi32>
      tpu.vector_store %arg13[%swap3A_168, %swap3A_169], %swap3A_172 {strides = array<i32>} : memref<32x99xi32, #tpu.memory_space<vmem>>, vector<1x16xi32>,
      %add3A_173 = arith.constant 83 : i32
      %add3A_174 = vector.broadcast %add3A_173 : i32 to vector<16xi32>
      %add3A_175 = arith.addi %add3A_174, %iota3A : vector<16xi32>
      %lt3A_176 = arith.constant 50 : i32
      %lt3A_177 = vector.broadcast %lt3A_176 : i32 to vector<16xi32>
      %lt3A_178 = arith.cmpi slt, %add3A_175, %lt3A_177 : vector<16xi32>
      %mul3A_179 = arith.constant 2 : i32
      %mul3A_180 = vector.broadcast %mul3A_179 : i32 to vector<16xi32>
      %mul3A_181 = arith.muli %mul3A_180, %add3A_175 : vector<16xi32>
      %sub3A_182 = arith.constant 50 : i32
      %sub3A_183 = vector.broadcast %sub3A_182 : i32 to vector<16xi32>
      %sub3A_184 = arith.subi %add3A_175, %sub3A_183 : vector<16xi32>
      %mul3A_185 = arith.constant 2 : i32
      %mul3A_186 = vector.broadcast %mul3A_185 : i32 to vector<16xi32>
      %mul3A_187 = arith.muli %mul3A_186, %sub3A_184 : vector<16xi32>
      %add3A_188 = arith.constant 1 : i32
      %add3A_189 = vector.broadcast %add3A_188 : i32 to vector<16xi32>
      %add3A_190 = arith.addi %mul3A_187, %add3A_189 : vector<16xi32>
      %select_n3A_191 = arith.select %lt3A_178, %mul3A_181, %add3A_190 : vector<16xi1>, vector<16xi32>
      %add3A_192 = vector.broadcast %mul3A_20 : i32 to vector<16xi32>
      %add3A_193 = arith.addi %add3A_192, %select_n3A_191 : vector<16xi32>
      %swap3A_194 = arith.index_cast %scan3A_16 : i32 to index
      %swap3A_195 = arith.constant 83 : index
      %swap3A_196 = tpu.vector_load %arg13[%swap3A_194, %swap3A_195] {strides = array<i32>} : memref<32x99xi32, #tpu.memory_space<vmem>>, vector<1x16xi32>,
      %swap3A_197 = vector.shape_cast %swap3A_196 : vector<1x16xi32> to vector<16xi32>
      %swap3A_198 = vector.shape_cast %add3A_193 : vector<16xi32> to vector<1x16xi32>
      tpu.vector_store %arg13[%swap3A_194, %swap3A_195], %swap3A_198 {strides = array<i32>} : memref<32x99xi32, #tpu.memory_space<vmem>>, vector<1x16xi32>,
      %scan3A_199 = arith.constant 0 : i32
      scf.yield %scan3A_199 : i32
    }
    %scan3A_15 = arith.constant 32 : i32
    "tpu.region"() ({
      %run_scoped3A = tpu.sem_alloc : memref<!tpu.dma_semaphore, #tpu.memory_space<semaphore_mem>>
      %run_scoped3A_16 = tpu.sem_alloc : memref<!tpu.dma_semaphore, #tpu.memory_space<semaphore_mem>>
      %run_scoped3A_17 = tpu.sem_alloc : memref<!tpu.dma_semaphore, #tpu.memory_space<semaphore_mem>>
      %run_scoped3A_18 = tpu.sem_alloc : memref<!tpu.dma_semaphore, #tpu.memory_space<semaphore_mem>>
      %dma_start3A = arith.constant 0 : i32
      %dma_start3A_19 = arith.constant 50 : i32
      %dma_start3A_20 = arith.constant 0 : i32
      %dma_start3A_21 = tpu.memref_slice %arg9[%dma_start3A_19, %dma_start3A_20] : memref<112x128xf32, #tpu.memory_space<vmem>> -> memref<56x128xf32, #tpu.memory_space<vmem>>
      %dma_start3A_22 = arith.constant 0 : i32
      %dma_start3A_23 = tpu.memref_slice %arg8[%dma_start3A, %dma_start3A_22] : memref<32x128xi32, #tpu.memory_space<vmem>> -> memref<1x56xi32, #tpu.memory_space<vmem>>
      %dma_start3A_24 = tpu.memref_squeeze %dma_start3A_23 : memref<1x56xi32, #tpu.memory_space<vmem>> -> memref<56xi32, #tpu.memory_space<vmem>>
      %dma_start3A_25 = arith.constant 0 : i32
      %dma_start3A_26 = arith.constant 0 : i32
      %dma_start3A_27 = tpu.memref_slice %arg4[%dma_start3A_25, %dma_start3A_26] : memref<100000x128xf32, #tpu.memory_space<hbm>> -> memref<100000x128xf32, #tpu.memory_space<hbm>>
      tpu.enqueue_indirect_dma source(%dma_start3A_27 : memref<100000x128xf32, #tpu.memory_space<hbm>>) target(%dma_start3A_21 : memref<56x128xf32, #tpu.memory_space<vmem>>) offsets(%dma_start3A_24 : memref<56xi32, #tpu.memory_space<vmem>>) semaphore(%run_scoped3A : memref<!tpu.dma_semaphore, #tpu.memory_space<semaphore_mem>>)
      %dma_start3A_28 = arith.constant 0 : i32
      %dma_start3A_29 = arith.constant 50 : i32
      %dma_start3A_30 = arith.constant 0 : i32
      %dma_start3A_31 = tpu.memref_slice %arg11[%dma_start3A_29, %dma_start3A_30] : memref<112x128xf32, #tpu.memory_space<vmem>> -> memref<56x128xf32, #tpu.memory_space<vmem>>
      %dma_start3A_32 = arith.constant 0 : i32
      %dma_start3A_33 = tpu.memref_slice %arg8[%dma_start3A_28, %dma_start3A_32] : memref<32x128xi32, #tpu.memory_space<vmem>> -> memref<1x56xi32, #tpu.memory_space<vmem>>
      %dma_start3A_34 = tpu.memref_squeeze %dma_start3A_33 : memref<1x56xi32, #tpu.memory_space<vmem>> -> memref<56xi32, #tpu.memory_space<vmem>>
      %dma_start3A_35 = arith.constant 0 : i32
      %dma_start3A_36 = arith.constant 0 : i32
      %dma_start3A_37 = tpu.memref_slice %arg5[%dma_start3A_35, %dma_start3A_36] : memref<100000x128xf32, #tpu.memory_space<hbm>> -> memref<100000x128xf32, #tpu.memory_space<hbm>>
      tpu.enqueue_indirect_dma source(%dma_start3A_37 : memref<100000x128xf32, #tpu.memory_space<hbm>>) target(%dma_start3A_31 : memref<56x128xf32, #tpu.memory_space<vmem>>) offsets(%dma_start3A_34 : memref<56xi32, #tpu.memory_space<vmem>>) semaphore(%run_scoped3A : memref<!tpu.dma_semaphore, #tpu.memory_space<semaphore_mem>>)
      %add3A_38 = arith.constant 0 : i32
      %add3A_39 = arith.addi %mul3A_2, %add3A_38 : i32
      %mul3A_40 = arith.constant 50 : i32
      %mul3A_41 = arith.muli %add3A_39, %mul3A_40 : i32
      %dma_start3A_42 = arith.constant 0 : i32
      %dma_start3A_43 = arith.constant 0 : i32
      %dma_start3A_44 = tpu.memref_slice %arg9[%dma_start3A_42, %dma_start3A_43] : memref<112x128xf32, #tpu.memory_space<vmem>> -> memref<50x128xf32, #tpu.memory_space<vmem>>
      %dma_start3A_45 = arith.constant 0 : i32
      %dma_start3A_46 = tpu.memref_slice %arg2[%mul3A_41, %dma_start3A_45] : memref<51200x128xf32, #tpu.memory_space<hbm>> -> memref<50x128xf32, #tpu.memory_space<hbm>>
      %dma_start3A_47 = arith.constant 0 : i32
      %dma_start3A_48 = arith.constant 0 : i32
      %dma_start3A_49 = tpu.memref_slice %arg9[%dma_start3A_47, %dma_start3A_48] : memref<112x128xf32, #tpu.memory_space<vmem>> -> memref<50x128xf32, #tpu.memory_space<vmem>>
      %dma_start3A_50 = arith.constant 0 : i32
      %dma_start3A_51 = tpu.memref_slice %arg2[%mul3A_41, %dma_start3A_50] : memref<51200x128xf32, #tpu.memory_space<hbm>> -> memref<50x128xf32, #tpu.memory_space<hbm>>
      tpu.enqueue_dma source(%dma_start3A_51 : memref<50x128xf32, #tpu.memory_space<hbm>>) target(%dma_start3A_49 : memref<50x128xf32, #tpu.memory_space<vmem>>) target_semaphore(%run_scoped3A : memref<!tpu.dma_semaphore, #tpu.memory_space<semaphore_mem>>)
      %dma_wait3A = arith.constant 0 : i32
      %dma_wait3A_52 = arith.constant 50 : i32
      %dma_wait3A_53 = arith.constant 0 : i32
      %dma_wait3A_54 = tpu.memref_slice %arg9[%dma_wait3A_52, %dma_wait3A_53] : memref<112x128xf32, #tpu.memory_space<vmem>> -> memref<56x128xf32, #tpu.memory_space<vmem>>
      %dma_wait3A_55 = arith.constant 0 : i32
      %dma_wait3A_56 = tpu.memref_slice %arg8[%dma_wait3A, %dma_wait3A_55] : memref<32x128xi32, #tpu.memory_space<vmem>> -> memref<1x56xi32, #tpu.memory_space<vmem>>
      %dma_wait3A_57 = tpu.memref_squeeze %dma_wait3A_56 : memref<1x56xi32, #tpu.memory_space<vmem>> -> memref<56xi32, #tpu.memory_space<vmem>>
      %dma_wait3A_58 = arith.constant 0 : i32
      %dma_wait3A_59 = arith.constant 0 : i32
      %dma_wait3A_60 = tpu.memref_slice %arg4[%dma_wait3A_58, %dma_wait3A_59] : memref<100000x128xf32, #tpu.memory_space<hbm>> -> memref<100000x128xf32, #tpu.memory_space<hbm>>
      tpu.wait_indirect_dma semaphore(%run_scoped3A : memref<!tpu.dma_semaphore, #tpu.memory_space<semaphore_mem>>) src(%dma_wait3A_60 : memref<100000x128xf32, #tpu.memory_space<hbm>>) dst(%dma_wait3A_54 : memref<56x128xf32, #tpu.memory_space<vmem>>)
      %dma_wait3A_61 = arith.constant 0 : i32
      %dma_wait3A_62 = arith.constant 50 : i32
      %dma_wait3A_63 = arith.constant 0 : i32
      %dma_wait3A_64 = tpu.memref_slice %arg11[%dma_wait3A_62, %dma_wait3A_63] : memref<112x128xf32, #tpu.memory_space<vmem>> -> memref<56x128xf32, #tpu.memory_space<vmem>>
      %dma_wait3A_65 = arith.constant 0 : i32
      %dma_wait3A_66 = tpu.memref_slice %arg8[%dma_wait3A_61, %dma_wait3A_65] : memref<32x128xi32, #tpu.memory_space<vmem>> -> memref<1x56xi32, #tpu.memory_space<vmem>>
      %dma_wait3A_67 = tpu.memref_squeeze %dma_wait3A_66 : memref<1x56xi32, #tpu.memory_space<vmem>> -> memref<56xi32, #tpu.memory_space<vmem>>
      %dma_wait3A_68 = arith.constant 0 : i32
      %dma_wait3A_69 = arith.constant 0 : i32
      %dma_wait3A_70 = tpu.memref_slice %arg5[%dma_wait3A_68, %dma_wait3A_69] : memref<100000x128xf32, #tpu.memory_space<hbm>> -> memref<100000x128xf32, #tpu.memory_space<hbm>>
      tpu.wait_indirect_dma semaphore(%run_scoped3A : memref<!tpu.dma_semaphore, #tpu.memory_space<semaphore_mem>>) src(%dma_wait3A_70 : memref<100000x128xf32, #tpu.memory_space<hbm>>) dst(%dma_wait3A_64 : memref<56x128xf32, #tpu.memory_space<vmem>>)
      %add3A_71 = arith.constant 0 : i32
      %add3A_72 = arith.addi %mul3A_2, %add3A_71 : i32
      %mul3A_73 = arith.constant 50 : i32
      %mul3A_74 = arith.muli %add3A_72, %mul3A_73 : i32
      %dma_wait3A_75 = arith.constant 0 : i32
      %dma_wait3A_76 = arith.constant 0 : i32
      %dma_wait3A_77 = tpu.memref_slice %arg9[%dma_wait3A_75, %dma_wait3A_76] : memref<112x128xf32, #tpu.memory_space<vmem>> -> memref<50x128xf32, #tpu.memory_space<vmem>>
      %dma_wait3A_78 = arith.constant 0 : i32
      %dma_wait3A_79 = tpu.memref_slice %arg2[%mul3A_74, %dma_wait3A_78] : memref<51200x128xf32, #tpu.memory_space<hbm>> -> memref<50x128xf32, #tpu.memory_space<hbm>>
      %dma_wait3A_80 = arith.constant 0 : i32
      %dma_wait3A_81 = arith.constant 0 : i32
      %dma_wait3A_82 = tpu.memref_slice %arg9[%dma_wait3A_80, %dma_wait3A_81] : memref<112x128xf32, #tpu.memory_space<vmem>> -> memref<50x128xf32, #tpu.memory_space<vmem>>
      %dma_wait3A_83 = arith.constant 0 : i32
      %dma_wait3A_84 = tpu.memref_slice %arg2[%mul3A_74, %dma_wait3A_83] : memref<51200x128xf32, #tpu.memory_space<hbm>> -> memref<50x128xf32, #tpu.memory_space<hbm>>
      tpu.wait_dma2 semaphore(%run_scoped3A : memref<!tpu.dma_semaphore, #tpu.memory_space<semaphore_mem>>) src(%dma_wait3A_84 : memref<50x128xf32, #tpu.memory_space<hbm>>) dst(%dma_wait3A_82 : memref<50x128xf32, #tpu.memory_space<vmem>>)
      %dma_start3A_85 = arith.constant 0 : i32
      %dma_start3A_86 = arith.constant 0 : i32
      %dma_start3A_87 = arith.constant 0 : i32
      %dma_start3A_88 = tpu.memref_slice %arg9[%dma_start3A_86, %dma_start3A_87] : memref<112x128xf32, #tpu.memory_space<vmem>> -> memref<99x128xf32, #tpu.memory_space<vmem>>
      %dma_start3A_89 = arith.constant 0 : i32
      %dma_start3A_90 = tpu.memref_slice %arg13[%dma_start3A_85, %dma_start3A_89] : memref<32x99xi32, #tpu.memory_space<vmem>> -> memref<1x99xi32, #tpu.memory_space<vmem>>
      %dma_start3A_91 = tpu.memref_squeeze %dma_start3A_90 : memref<1x99xi32, #tpu.memory_space<vmem>> -> memref<99xi32, #tpu.memory_space<vmem>>
      %dma_start3A_92 = arith.constant 0 : i32
      %dma_start3A_93 = arith.constant 0 : i32
      %dma_start3A_94 = tpu.memref_slice %arg6[%dma_start3A_92, %dma_start3A_93] : memref<101376x128xf32, #tpu.memory_space<hbm>> -> memref<101376x128xf32, #tpu.memory_space<hbm>>
      tpu.enqueue_indirect_dma source(%dma_start3A_88 : memref<99x128xf32, #tpu.memory_space<vmem>>) target(%dma_start3A_94 : memref<101376x128xf32, #tpu.memory_space<hbm>>) offsets(%dma_start3A_91 : memref<99xi32, #tpu.memory_space<vmem>>) semaphore(%run_scoped3A_17 : memref<!tpu.dma_semaphore, #tpu.memory_space<semaphore_mem>>)
      %dma_start3A_95 = arith.constant 0 : i32
      %dma_start3A_96 = arith.constant 0 : i32
      %dma_start3A_97 = arith.constant 0 : i32
      %dma_start3A_98 = tpu.memref_slice %arg11[%dma_start3A_96, %dma_start3A_97] : memref<112x128xf32, #tpu.memory_space<vmem>> -> memref<99x128xf32, #tpu.memory_space<vmem>>
      %dma_start3A_99 = arith.constant 0 : i32
      %dma_start3A_100 = tpu.memref_slice %arg13[%dma_start3A_95, %dma_start3A_99] : memref<32x99xi32, #tpu.memory_space<vmem>> -> memref<1x99xi32, #tpu.memory_space<vmem>>
      %dma_start3A_101 = tpu.memref_squeeze %dma_start3A_100 : memref<1x99xi32, #tpu.memory_space<vmem>> -> memref<99xi32, #tpu.memory_space<vmem>>
      %dma_start3A_102 = arith.constant 0 : i32
      %dma_start3A_103 = arith.constant 0 : i32
      %dma_start3A_104 = tpu.memref_slice %arg7[%dma_start3A_102, %dma_start3A_103] : memref<101376x128xf32, #tpu.memory_space<hbm>> -> memref<101376x128xf32, #tpu.memory_space<hbm>>
      tpu.enqueue_indirect_dma source(%dma_start3A_98 : memref<99x128xf32, #tpu.memory_space<vmem>>) target(%dma_start3A_104 : memref<101376x128xf32, #tpu.memory_space<hbm>>) offsets(%dma_start3A_101 : memref<99xi32, #tpu.memory_space<vmem>>) semaphore(%run_scoped3A_17 : memref<!tpu.dma_semaphore, #tpu.memory_space<semaphore_mem>>)
      %dma_start3A_105 = arith.constant 1 : i32
      %dma_start3A_106 = arith.constant 50 : i32
      %dma_start3A_107 = arith.constant 0 : i32
      %dma_start3A_108 = tpu.memref_slice %arg10[%dma_start3A_106, %dma_start3A_107] : memref<112x128xf32, #tpu.memory_space<vmem>> -> memref<56x128xf32, #tpu.memory_space<vmem>>
      %dma_start3A_109 = arith.constant 0 : i32
      %dma_start3A_110 = tpu.memref_slice %arg8[%dma_start3A_105, %dma_start3A_109] : memref<32x128xi32, #tpu.memory_space<vmem>> -> memref<1x56xi32, #tpu.memory_space<vmem>>
      %dma_start3A_111 = tpu.memref_squeeze %dma_start3A_110 : memref<1x56xi32, #tpu.memory_space<vmem>> -> memref<56xi32, #tpu.memory_space<vmem>>
      %dma_start3A_112 = arith.constant 0 : i32
      %dma_start3A_113 = arith.constant 0 : i32
      %dma_start3A_114 = tpu.memref_slice %arg4[%dma_start3A_112, %dma_start3A_113] : memref<100000x128xf32, #tpu.memory_space<hbm>> -> memref<100000x128xf32, #tpu.memory_space<hbm>>
      tpu.enqueue_indirect_dma source(%dma_start3A_114 : memref<100000x128xf32, #tpu.memory_space<hbm>>) target(%dma_start3A_108 : memref<56x128xf32, #tpu.memory_space<vmem>>) offsets(%dma_start3A_111 : memref<56xi32, #tpu.memory_space<vmem>>) semaphore(%run_scoped3A_16 : memref<!tpu.dma_semaphore, #tpu.memory_space<semaphore_mem>>)
      %dma_start3A_115 = arith.constant 1 : i32
      %dma_start3A_116 = arith.constant 50 : i32
      %dma_start3A_117 = arith.constant 0 : i32
      %dma_start3A_118 = tpu.memref_slice %arg12[%dma_start3A_116, %dma_start3A_117] : memref<112x128xf32, #tpu.memory_space<vmem>> -> memref<56x128xf32, #tpu.memory_space<vmem>>
      %dma_start3A_119 = arith.constant 0 : i32
      %dma_start3A_120 = tpu.memref_slice %arg8[%dma_start3A_115, %dma_start3A_119] : memref<32x128xi32, #tpu.memory_space<vmem>> -> memref<1x56xi32, #tpu.memory_space<vmem>>
      %dma_start3A_121 = tpu.memref_squeeze %dma_start3A_120 : memref<1x56xi32, #tpu.memory_space<vmem>> -> memref<56xi32, #tpu.memory_space<vmem>>
      %dma_start3A_122 = arith.constant 0 : i32
      %dma_start3A_123 = arith.constant 0 : i32
      %dma_start3A_124 = tpu.memref_slice %arg5[%dma_start3A_122, %dma_start3A_123] : memref<100000x128xf32, #tpu.memory_space<hbm>> -> memref<100000x128xf32, #tpu.memory_space<hbm>>
      tpu.enqueue_indirect_dma source(%dma_start3A_124 : memref<100000x128xf32, #tpu.memory_space<hbm>>) target(%dma_start3A_118 : memref<56x128xf32, #tpu.memory_space<vmem>>) offsets(%dma_start3A_121 : memref<56xi32, #tpu.memory_space<vmem>>) semaphore(%run_scoped3A_16 : memref<!tpu.dma_semaphore, #tpu.memory_space<semaphore_mem>>)
      %add3A_125 = arith.constant 1 : i32
      %add3A_126 = arith.addi %mul3A_2, %add3A_125 : i32
      %mul3A_127 = arith.constant 50 : i32
      %mul3A_128 = arith.muli %add3A_126, %mul3A_127 : i32
      %dma_start3A_129 = arith.constant 0 : i32
      %dma_start3A_130 = arith.constant 0 : i32
      %dma_start3A_131 = tpu.memref_slice %arg10[%dma_start3A_129, %dma_start3A_130] : memref<112x128xf32, #tpu.memory_space<vmem>> -> memref<50x128xf32, #tpu.memory_space<vmem>>
      %dma_start3A_132 = arith.constant 0 : i32
      %dma_start3A_133 = tpu.memref_slice %arg2[%mul3A_128, %dma_start3A_132] : memref<51200x128xf32, #tpu.memory_space<hbm>> -> memref<50x128xf32, #tpu.memory_space<hbm>>
      %dma_start3A_134 = arith.constant 0 : i32
      %dma_start3A_135 = arith.constant 0 : i32
      %dma_start3A_136 = tpu.memref_slice %arg10[%dma_start3A_134, %dma_start3A_135] : memref<112x128xf32, #tpu.memory_space<vmem>> -> memref<50x128xf32, #tpu.memory_space<vmem>>
      %dma_start3A_137 = arith.constant 0 : i32
      %dma_start3A_138 = tpu.memref_slice %arg2[%mul3A_128, %dma_start3A_137] : memref<51200x128xf32, #tpu.memory_space<hbm>> -> memref<50x128xf32, #tpu.memory_space<hbm>>
      tpu.enqueue_dma source(%dma_start3A_138 : memref<50x128xf32, #tpu.memory_space<hbm>>) target(%dma_start3A_136 : memref<50x128xf32, #tpu.memory_space<vmem>>) target_semaphore(%run_scoped3A_16 : memref<!tpu.dma_semaphore, #tpu.memory_space<semaphore_mem>>)
      %dma_wait3A_139 = arith.constant 1 : i32
      %dma_wait3A_140 = arith.constant 50 : i32
      %dma_wait3A_141 = arith.constant 0 : i32
      %dma_wait3A_142 = tpu.memref_slice %arg10[%dma_wait3A_140, %dma_wait3A_141] : memref<112x128xf32, #tpu.memory_space<vmem>> -> memref<56x128xf32, #tpu.memory_space<vmem>>
      %dma_wait3A_143 = arith.constant 0 : i32
      %dma_wait3A_144 = tpu.memref_slice %arg8[%dma_wait3A_139, %dma_wait3A_143] : memref<32x128xi32, #tpu.memory_space<vmem>> -> memref<1x56xi32, #tpu.memory_space<vmem>>
      %dma_wait3A_145 = tpu.memref_squeeze %dma_wait3A_144 : memref<1x56xi32, #tpu.memory_space<vmem>> -> memref<56xi32, #tpu.memory_space<vmem>>
      %dma_wait3A_146 = arith.constant 0 : i32
      %dma_wait3A_147 = arith.constant 0 : i32
      %dma_wait3A_148 = tpu.memref_slice %arg4[%dma_wait3A_146, %dma_wait3A_147] : memref<100000x128xf32, #tpu.memory_space<hbm>> -> memref<100000x128xf32, #tpu.memory_space<hbm>>
      tpu.wait_indirect_dma semaphore(%run_scoped3A_16 : memref<!tpu.dma_semaphore, #tpu.memory_space<semaphore_mem>>) src(%dma_wait3A_148 : memref<100000x128xf32, #tpu.memory_space<hbm>>) dst(%dma_wait3A_142 : memref<56x128xf32, #tpu.memory_space<vmem>>)
      %dma_wait3A_149 = arith.constant 1 : i32
      %dma_wait3A_150 = arith.constant 50 : i32
      %dma_wait3A_151 = arith.constant 0 : i32
      %dma_wait3A_152 = tpu.memref_slice %arg12[%dma_wait3A_150, %dma_wait3A_151] : memref<112x128xf32, #tpu.memory_space<vmem>> -> memref<56x128xf32, #tpu.memory_space<vmem>>
      %dma_wait3A_153 = arith.constant 0 : i32
      %dma_wait3A_154 = tpu.memref_slice %arg8[%dma_wait3A_149, %dma_wait3A_153] : memref<32x128xi32, #tpu.memory_space<vmem>> -> memref<1x56xi32, #tpu.memory_space<vmem>>
      %dma_wait3A_155 = tpu.memref_squeeze %dma_wait3A_154 : memref<1x56xi32, #tpu.memory_space<vmem>> -> memref<56xi32, #tpu.memory_space<vmem>>
      %dma_wait3A_156 = arith.constant 0 : i32
      %dma_wait3A_157 = arith.constant 0 : i32
      %dma_wait3A_158 = tpu.memref_slice %arg5[%dma_wait3A_156, %dma_wait3A_157] : memref<100000x128xf32, #tpu.memory_space<hbm>> -> memref<100000x128xf32, #tpu.memory_space<hbm>>
      tpu.wait_indirect_dma semaphore(%run_scoped3A_16 : memref<!tpu.dma_semaphore, #tpu.memory_space<semaphore_mem>>) src(%dma_wait3A_158 : memref<100000x128xf32, #tpu.memory_space<hbm>>) dst(%dma_wait3A_152 : memref<56x128xf32, #tpu.memory_space<vmem>>)
      %add3A_159 = arith.constant 1 : i32
      %add3A_160 = arith.addi %mul3A_2, %add3A_159 : i32
      %mul3A_161 = arith.constant 50 : i32
      %mul3A_162 = arith.muli %add3A_160, %mul3A_161 : i32
      %dma_wait3A_163 = arith.constant 0 : i32
      %dma_wait3A_164 = arith.constant 0 : i32
      %dma_wait3A_165 = tpu.memref_slice %arg10[%dma_wait3A_163, %dma_wait3A_164] : memref<112x128xf32, #tpu.memory_space<vmem>> -> memref<50x128xf32, #tpu.memory_space<vmem>>
      %dma_wait3A_166 = arith.constant 0 : i32
      %dma_wait3A_167 = tpu.memref_slice %arg2[%mul3A_162, %dma_wait3A_166] : memref<51200x128xf32, #tpu.memory_space<hbm>> -> memref<50x128xf32, #tpu.memory_space<hbm>>
      %dma_wait3A_168 = arith.constant 0 : i32
      %dma_wait3A_169 = arith.constant 0 : i32
      %dma_wait3A_170 = tpu.memref_slice %arg10[%dma_wait3A_168, %dma_wait3A_169] : memref<112x128xf32, #tpu.memory_space<vmem>> -> memref<50x128xf32, #tpu.memory_space<vmem>>
      %dma_wait3A_171 = arith.constant 0 : i32
      %dma_wait3A_172 = tpu.memref_slice %arg2[%mul3A_162, %dma_wait3A_171] : memref<51200x128xf32, #tpu.memory_space<hbm>> -> memref<50x128xf32, #tpu.memory_space<hbm>>
      tpu.wait_dma2 semaphore(%run_scoped3A_16 : memref<!tpu.dma_semaphore, #tpu.memory_space<semaphore_mem>>) src(%dma_wait3A_172 : memref<50x128xf32, #tpu.memory_space<hbm>>) dst(%dma_wait3A_170 : memref<50x128xf32, #tpu.memory_space<vmem>>)
      %dma_start3A_173 = arith.constant 1 : i32
      %dma_start3A_174 = arith.constant 0 : i32
      %dma_start3A_175 = arith.constant 0 : i32
      %dma_start3A_176 = tpu.memref_slice %arg10[%dma_start3A_174, %dma_start3A_175] : memref<112x128xf32, #tpu.memory_space<vmem>> -> memref<99x128xf32, #tpu.memory_space<vmem>>
      %dma_start3A_177 = arith.constant 0 : i32
      %dma_start3A_178 = tpu.memref_slice %arg13[%dma_start3A_173, %dma_start3A_177] : memref<32x99xi32, #tpu.memory_space<vmem>> -> memref<1x99xi32, #tpu.memory_space<vmem>>
      %dma_start3A_179 = tpu.memref_squeeze %dma_start3A_178 : memref<1x99xi32, #tpu.memory_space<vmem>> -> memref<99xi32, #tpu.memory_space<vmem>>
      %dma_start3A_180 = arith.constant 0 : i32
      %dma_start3A_181 = arith.constant 0 : i32
      %dma_start3A_182 = tpu.memref_slice %arg6[%dma_start3A_180, %dma_start3A_181] : memref<101376x128xf32, #tpu.memory_space<hbm>> -> memref<101376x128xf32, #tpu.memory_space<hbm>>
      tpu.enqueue_indirect_dma source(%dma_start3A_176 : memref<99x128xf32, #tpu.memory_space<vmem>>) target(%dma_start3A_182 : memref<101376x128xf32, #tpu.memory_space<hbm>>) offsets(%dma_start3A_179 : memref<99xi32, #tpu.memory_space<vmem>>) semaphore(%run_scoped3A_18 : memref<!tpu.dma_semaphore, #tpu.memory_space<semaphore_mem>>)
      %dma_start3A_183 = arith.constant 1 : i32
      %dma_start3A_184 = arith.constant 0 : i32
      %dma_start3A_185 = arith.constant 0 : i32
      %dma_start3A_186 = tpu.memref_slice %arg12[%dma_start3A_184, %dma_start3A_185] : memref<112x128xf32, #tpu.memory_space<vmem>> -> memref<99x128xf32, #tpu.memory_space<vmem>>
      %dma_start3A_187 = arith.constant 0 : i32
      %dma_start3A_188 = tpu.memref_slice %arg13[%dma_start3A_183, %dma_start3A_187] : memref<32x99xi32, #tpu.memory_space<vmem>> -> memref<1x99xi32, #tpu.memory_space<vmem>>
      %dma_start3A_189 = tpu.memref_squeeze %dma_start3A_188 : memref<1x99xi32, #tpu.memory_space<vmem>> -> memref<99xi32, #tpu.memory_space<vmem>>
      %dma_start3A_190 = arith.constant 0 : i32
      %dma_start3A_191 = arith.constant 0 : i32
      %dma_start3A_192 = tpu.memref_slice %arg7[%dma_start3A_190, %dma_start3A_191] : memref<101376x128xf32, #tpu.memory_space<hbm>> -> memref<101376x128xf32, #tpu.memory_space<hbm>>
      tpu.enqueue_indirect_dma source(%dma_start3A_186 : memref<99x128xf32, #tpu.memory_space<vmem>>) target(%dma_start3A_192 : memref<101376x128xf32, #tpu.memory_space<hbm>>) offsets(%dma_start3A_189 : memref<99xi32, #tpu.memory_space<vmem>>) semaphore(%run_scoped3A_18 : memref<!tpu.dma_semaphore, #tpu.memory_space<semaphore_mem>>)
      %dma_wait3A_193 = arith.constant 0 : i32
      %dma_wait3A_194 = arith.constant 0 : i32
      %dma_wait3A_195 = arith.constant 0 : i32
      %dma_wait3A_196 = tpu.memref_slice %arg9[%dma_wait3A_194, %dma_wait3A_195] : memref<112x128xf32, #tpu.memory_space<vmem>> -> memref<99x128xf32, #tpu.memory_space<vmem>>
      %dma_wait3A_197 = arith.constant 0 : i32
      %dma_wait3A_198 = tpu.memref_slice %arg13[%dma_wait3A_193, %dma_wait3A_197] : memref<32x99xi32, #tpu.memory_space<vmem>> -> memref<1x99xi32, #tpu.memory_space<vmem>>
      %dma_wait3A_199 = tpu.memref_squeeze %dma_wait3A_198 : memref<1x99xi32, #tpu.memory_space<vmem>> -> memref<99xi32, #tpu.memory_space<vmem>>
      %dma_wait3A_200 = arith.constant 0 : i32
      %dma_wait3A_201 = arith.constant 0 : i32
      %dma_wait3A_202 = tpu.memref_slice %arg6[%dma_wait3A_200, %dma_wait3A_201] : memref<101376x128xf32, #tpu.memory_space<hbm>> -> memref<101376x128xf32, #tpu.memory_space<hbm>>
      tpu.wait_indirect_dma semaphore(%run_scoped3A_17 : memref<!tpu.dma_semaphore, #tpu.memory_space<semaphore_mem>>) src(%dma_wait3A_196 : memref<99x128xf32, #tpu.memory_space<vmem>>) dst(%dma_wait3A_202 : memref<101376x128xf32, #tpu.memory_space<hbm>>)
      %dma_wait3A_203 = arith.constant 0 : i32
      %dma_wait3A_204 = arith.constant 0 : i32
      %dma_wait3A_205 = arith.constant 0 : i32
      %dma_wait3A_206 = tpu.memref_slice %arg11[%dma_wait3A_204, %dma_wait3A_205] : memref<112x128xf32, #tpu.memory_space<vmem>> -> memref<99x128xf32, #tpu.memory_space<vmem>>
      %dma_wait3A_207 = arith.constant 0 : i32
      %dma_wait3A_208 = tpu.memref_slice %arg13[%dma_wait3A_203, %dma_wait3A_207] : memref<32x99xi32, #tpu.memory_space<vmem>> -> memref<1x99xi32, #tpu.memory_space<vmem>>
      %dma_wait3A_209 = tpu.memref_squeeze %dma_wait3A_208 : memref<1x99xi32, #tpu.memory_space<vmem>> -> memref<99xi32, #tpu.memory_space<vmem>>
      %dma_wait3A_210 = arith.constant 0 : i32
      %dma_wait3A_211 = arith.constant 0 : i32
      %dma_wait3A_212 = tpu.memref_slice %arg7[%dma_wait3A_210, %dma_wait3A_211] : memref<101376x128xf32, #tpu.memory_space<hbm>> -> memref<101376x128xf32, #tpu.memory_space<hbm>>
      tpu.wait_indirect_dma semaphore(%run_scoped3A_17 : memref<!tpu.dma_semaphore, #tpu.memory_space<semaphore_mem>>) src(%dma_wait3A_206 : memref<99x128xf32, #tpu.memory_space<vmem>>) dst(%dma_wait3A_212 : memref<101376x128xf32, #tpu.memory_space<hbm>>)
      %dma_start3A_213 = arith.constant 2 : i32
      %dma_start3A_214 = arith.constant 50 : i32
      %dma_start3A_215 = arith.constant 0 : i32
      %dma_start3A_216 = tpu.memref_slice %arg9[%dma_start3A_214, %dma_start3A_215] : memref<112x128xf32, #tpu.memory_space<vmem>> -> memref<56x128xf32, #tpu.memory_space<vmem>>
      %dma_start3A_217 = arith.constant 0 : i32
      %dma_start3A_218 = tpu.memref_slice %arg8[%dma_start3A_213, %dma_start3A_217] : memref<32x128xi32, #tpu.memory_space<vmem>> -> memref<1x56xi32, #tpu.memory_space<vmem>>
      %dma_start3A_219 = tpu.memref_squeeze %dma_start3A_218 : memref<1x56xi32, #tpu.memory_space<vmem>> -> memref<56xi32, #tpu.memory_space<vmem>>
      %dma_start3A_220 = arith.constant 0 : i32
      %dma_start3A_221 = arith.constant 0 : i32
      %dma_start3A_222 = tpu.memref_slice %arg4[%dma_start3A_220, %dma_start3A_221] : memref<100000x128xf32, #tpu.memory_space<hbm>> -> memref<100000x128xf32, #tpu.memory_space<hbm>>
      tpu.enqueue_indirect_dma source(%dma_start3A_222 : memref<100000x128xf32, #tpu.memory_space<hbm>>) target(%dma_start3A_216 : memref<56x128xf32, #tpu.memory_space<vmem>>) offsets(%dma_start3A_219 : memref<56xi32, #tpu.memory_space<vmem>>) semaphore(%run_scoped3A : memref<!tpu.dma_semaphore, #tpu.memory_space<semaphore_mem>>)
      %dma_start3A_223 = arith.constant 2 : i32
      %dma_start3A_224 = arith.constant 50 : i32
      %dma_start3A_225 = arith.constant 0 : i32
      %dma_start3A_226 = tpu.memref_slice %arg11[%dma_start3A_224, %dma_start3A_225] : memref<112x128xf32, #tpu.memory_space<vmem>> -> memref<56x128xf32, #tpu.memory_space<vmem>>
      %dma_start3A_227 = arith.constant 0 : i32
      %dma_start3A_228 = tpu.memref_slice %arg8[%dma_start3A_223, %dma_start3A_227] : memref<32x128xi32, #tpu.memory_space<vmem>> -> memref<1x56xi32, #tpu.memory_space<vmem>>
      %dma_start3A_229 = tpu.memref_squeeze %dma_start3A_228 : memref<1x56xi32, #tpu.memory_space<vmem>> -> memref<56xi32, #tpu.memory_space<vmem>>
      %dma_start3A_230 = arith.constant 0 : i32
      %dma_start3A_231 = arith.constant 0 : i32
      %dma_start3A_232 = tpu.memref_slice %arg5[%dma_start3A_230, %dma_start3A_231] : memref<100000x128xf32, #tpu.memory_space<hbm>> -> memref<100000x128xf32, #tpu.memory_space<hbm>>
      tpu.enqueue_indirect_dma source(%dma_start3A_232 : memref<100000x128xf32, #tpu.memory_space<hbm>>) target(%dma_start3A_226 : memref<56x128xf32, #tpu.memory_space<vmem>>) offsets(%dma_start3A_229 : memref<56xi32, #tpu.memory_space<vmem>>) semaphore(%run_scoped3A : memref<!tpu.dma_semaphore, #tpu.memory_space<semaphore_mem>>)
      %add3A_233 = arith.constant 2 : i32
      %add3A_234 = arith.addi %mul3A_2, %add3A_233 : i32
      %mul3A_235 = arith.constant 50 : i32
      %mul3A_236 = arith.muli %add3A_234, %mul3A_235 : i32
      %dma_start3A_237 = arith.constant 0 : i32
      %dma_start3A_238 = arith.constant 0 : i32
      %dma_start3A_239 = tpu.memref_slice %arg9[%dma_start3A_237, %dma_start3A_238] : memref<112x128xf32, #tpu.memory_space<vmem>> -> memref<50x128xf32, #tpu.memory_space<vmem>>
      %dma_start3A_240 = arith.constant 0 : i32
      %dma_start3A_241 = tpu.memref_slice %arg2[%mul3A_236, %dma_start3A_240] : memref<51200x128xf32, #tpu.memory_space<hbm>> -> memref<50x128xf32, #tpu.memory_space<hbm>>
      %dma_start3A_242 = arith.constant 0 : i32
      %dma_start3A_243 = arith.constant 0 : i32
      %dma_start3A_244 = tpu.memref_slice %arg9[%dma_start3A_242, %dma_start3A_243] : memref<112x128xf32, #tpu.memory_space<vmem>> -> memref<50x128xf32, #tpu.memory_space<vmem>>
      %dma_start3A_245 = arith.constant 0 : i32
      %dma_start3A_246 = tpu.memref_slice %arg2[%mul3A_236, %dma_start3A_245] : memref<51200x128xf32, #tpu.memory_space<hbm>> -> memref<50x128xf32, #tpu.memory_space<hbm>>
      tpu.enqueue_dma source(%dma_start3A_246 : memref<50x128xf32, #tpu.memory_space<hbm>>) target(%dma_start3A_244 : memref<50x128xf32, #tpu.memory_space<vmem>>) target_semaphore(%run_scoped3A : memref<!tpu.dma_semaphore, #tpu.memory_space<semaphore_mem>>)
      %scan3A_247 = arith.constant 0 : i32
      %scan3A_248 = arith.constant 1 : i32
      %scan3A_249 = arith.constant 14 : i32
      %scan3A_250 = arith.addi %scan3A_248, %scan3A_249 : i32
      %scan3A_251 = arith.constant 1 : i32
      %scan3A_252 = scf.for %scan3A_456 = %scan3A_248 to %scan3A_250 step %scan3A_251 iter_args(%scan3A_457 = %scan3A_247) -> (i32)  : i32 {
        %mul3A_458 = arith.constant 2 : i32
        %mul3A_459 = arith.muli %mul3A_458, %scan3A_456 : i32
        %mul3A_460 = arith.constant 2 : i32
        %mul3A_461 = arith.muli %mul3A_460, %scan3A_456 : i32
        %add3A_462 = arith.constant 1 : i32
        %add3A_463 = arith.addi %mul3A_461, %add3A_462 : i32
        %dma_wait3A_464 = arith.constant 50 : i32
        %dma_wait3A_465 = arith.constant 0 : i32
        %dma_wait3A_466 = tpu.memref_slice %arg9[%dma_wait3A_464, %dma_wait3A_465] : memref<112x128xf32, #tpu.memory_space<vmem>> -> memref<56x128xf32, #tpu.memory_space<vmem>>
        %dma_wait3A_467 = arith.constant 0 : i32
        %dma_wait3A_468 = tpu.memref_slice %arg8[%mul3A_459, %dma_wait3A_467] : memref<32x128xi32, #tpu.memory_space<vmem>> -> memref<1x56xi32, #tpu.memory_space<vmem>>
        %dma_wait3A_469 = tpu.memref_squeeze %dma_wait3A_468 : memref<1x56xi32, #tpu.memory_space<vmem>> -> memref<56xi32, #tpu.memory_space<vmem>>
        %dma_wait3A_470 = arith.constant 0 : i32
        %dma_wait3A_471 = arith.constant 0 : i32
        %dma_wait3A_472 = tpu.memref_slice %arg4[%dma_wait3A_470, %dma_wait3A_471] : memref<100000x128xf32, #tpu.memory_space<hbm>> -> memref<100000x128xf32, #tpu.memory_space<hbm>>
        tpu.wait_indirect_dma semaphore(%run_scoped3A : memref<!tpu.dma_semaphore, #tpu.memory_space<semaphore_mem>>) src(%dma_wait3A_472 : memref<100000x128xf32, #tpu.memory_space<hbm>>) dst(%dma_wait3A_466 : memref<56x128xf32, #tpu.memory_space<vmem>>)
        %dma_wait3A_473 = arith.constant 50 : i32
        %dma_wait3A_474 = arith.constant 0 : i32
        %dma_wait3A_475 = tpu.memref_slice %arg11[%dma_wait3A_473, %dma_wait3A_474] : memref<112x128xf32, #tpu.memory_space<vmem>> -> memref<56x128xf32, #tpu.memory_space<vmem>>
        %dma_wait3A_476 = arith.constant 0 : i32
        %dma_wait3A_477 = tpu.memref_slice %arg8[%mul3A_459, %dma_wait3A_476] : memref<32x128xi32, #tpu.memory_space<vmem>> -> memref<1x56xi32, #tpu.memory_space<vmem>>
        %dma_wait3A_478 = tpu.memref_squeeze %dma_wait3A_477 : memref<1x56xi32, #tpu.memory_space<vmem>> -> memref<56xi32, #tpu.memory_space<vmem>>
        %dma_wait3A_479 = arith.constant 0 : i32
        %dma_wait3A_480 = arith.constant 0 : i32
        %dma_wait3A_481 = tpu.memref_slice %arg5[%dma_wait3A_479, %dma_wait3A_480] : memref<100000x128xf32, #tpu.memory_space<hbm>> -> memref<100000x128xf32, #tpu.memory_space<hbm>>
        tpu.wait_indirect_dma semaphore(%run_scoped3A : memref<!tpu.dma_semaphore, #tpu.memory_space<semaphore_mem>>) src(%dma_wait3A_481 : memref<100000x128xf32, #tpu.memory_space<hbm>>) dst(%dma_wait3A_475 : memref<56x128xf32, #tpu.memory_space<vmem>>)
        %add3A_482 = arith.addi %mul3A_2, %mul3A_459 : i32
        %mul3A_483 = arith.constant 50 : i32
        %mul3A_484 = arith.muli %add3A_482, %mul3A_483 : i32
        %dma_wait3A_485 = arith.constant 0 : i32
        %dma_wait3A_486 = arith.constant 0 : i32
        %dma_wait3A_487 = tpu.memref_slice %arg9[%dma_wait3A_485, %dma_wait3A_486] : memref<112x128xf32, #tpu.memory_space<vmem>> -> memref<50x128xf32, #tpu.memory_space<vmem>>
        %dma_wait3A_488 = arith.constant 0 : i32
        %dma_wait3A_489 = tpu.memref_slice %arg2[%mul3A_484, %dma_wait3A_488] : memref<51200x128xf32, #tpu.memory_space<hbm>> -> memref<50x128xf32, #tpu.memory_space<hbm>>
        %dma_wait3A_490 = arith.constant 0 : i32
        %dma_wait3A_491 = arith.constant 0 : i32
        %dma_wait3A_492 = tpu.memref_slice %arg9[%dma_wait3A_490, %dma_wait3A_491] : memref<112x128xf32, #tpu.memory_space<vmem>> -> memref<50x128xf32, #tpu.memory_space<vmem>>
        %dma_wait3A_493 = arith.constant 0 : i32
        %dma_wait3A_494 = tpu.memref_slice %arg2[%mul3A_484, %dma_wait3A_493] : memref<51200x128xf32, #tpu.memory_space<hbm>> -> memref<50x128xf32, #tpu.memory_space<hbm>>
        tpu.wait_dma2 semaphore(%run_scoped3A : memref<!tpu.dma_semaphore, #tpu.memory_space<semaphore_mem>>) src(%dma_wait3A_494 : memref<50x128xf32, #tpu.memory_space<hbm>>) dst(%dma_wait3A_492 : memref<50x128xf32, #tpu.memory_space<vmem>>)
        %dma_start3A_495 = arith.constant 0 : i32
        %dma_start3A_496 = arith.constant 0 : i32
        %dma_start3A_497 = tpu.memref_slice %arg9[%dma_start3A_495, %dma_start3A_496] : memref<112x128xf32, #tpu.memory_space<vmem>> -> memref<99x128xf32, #tpu.memory_space<vmem>>
        %dma_start3A_498 = arith.constant 0 : i32
        %dma_start3A_499 = tpu.memref_slice %arg13[%mul3A_459, %dma_start3A_498] : memref<32x99xi32, #tpu.memory_space<vmem>> -> memref<1x99xi32, #tpu.memory_space<vmem>>
        %dma_start3A_500 = tpu.memref_squeeze %dma_start3A_499 : memref<1x99xi32, #tpu.memory_space<vmem>> -> memref<99xi32, #tpu.memory_space<vmem>>
        %dma_start3A_501 = arith.constant 0 : i32
        %dma_start3A_502 = arith.constant 0 : i32
        %dma_start3A_503 = tpu.memref_slice %arg6[%dma_start3A_501, %dma_start3A_502] : memref<101376x128xf32, #tpu.memory_space<hbm>> -> memref<101376x128xf32, #tpu.memory_space<hbm>>
        tpu.enqueue_indirect_dma source(%dma_start3A_497 : memref<99x128xf32, #tpu.memory_space<vmem>>) target(%dma_start3A_503 : memref<101376x128xf32, #tpu.memory_space<hbm>>) offsets(%dma_start3A_500 : memref<99xi32, #tpu.memory_space<vmem>>) semaphore(%run_scoped3A_17 : memref<!tpu.dma_semaphore, #tpu.memory_space<semaphore_mem>>)
        %dma_start3A_504 = arith.constant 0 : i32
        %dma_start3A_505 = arith.constant 0 : i32
        %dma_start3A_506 = tpu.memref_slice %arg11[%dma_start3A_504, %dma_start3A_505] : memref<112x128xf32, #tpu.memory_space<vmem>> -> memref<99x128xf32, #tpu.memory_space<vmem>>
        %dma_start3A_507 = arith.constant 0 : i32
        %dma_start3A_508 = tpu.memref_slice %arg13[%mul3A_459, %dma_start3A_507] : memref<32x99xi32, #tpu.memory_space<vmem>> -> memref<1x99xi32, #tpu.memory_space<vmem>>
        %dma_start3A_509 = tpu.memref_squeeze %dma_start3A_508 : memref<1x99xi32, #tpu.memory_space<vmem>> -> memref<99xi32, #tpu.memory_space<vmem>>
        %dma_start3A_510 = arith.constant 0 : i32
        %dma_start3A_511 = arith.constant 0 : i32
        %dma_start3A_512 = tpu.memref_slice %arg7[%dma_start3A_510, %dma_start3A_511] : memref<101376x128xf32, #tpu.memory_space<hbm>> -> memref<101376x128xf32, #tpu.memory_space<hbm>>
        tpu.enqueue_indirect_dma source(%dma_start3A_506 : memref<99x128xf32, #tpu.memory_space<vmem>>) target(%dma_start3A_512 : memref<101376x128xf32, #tpu.memory_space<hbm>>) offsets(%dma_start3A_509 : memref<99xi32, #tpu.memory_space<vmem>>) semaphore(%run_scoped3A_17 : memref<!tpu.dma_semaphore, #tpu.memory_space<semaphore_mem>>)
        %sub3A = arith.constant 2 : i32
        %sub3A_513 = arith.subi %add3A_463, %sub3A : i32
        %dma_wait3A_514 = arith.constant 0 : i32
        %dma_wait3A_515 = arith.constant 0 : i32
        %dma_wait3A_516 = tpu.memref_slice %arg10[%dma_wait3A_514, %dma_wait3A_515] : memref<112x128xf32, #tpu.memory_space<vmem>> -> memref<99x128xf32, #tpu.memory_space<vmem>>
        %dma_wait3A_517 = arith.constant 0 : i32
        %dma_wait3A_518 = tpu.memref_slice %arg13[%sub3A_513, %dma_wait3A_517] : memref<32x99xi32, #tpu.memory_space<vmem>> -> memref<1x99xi32, #tpu.memory_space<vmem>>
        %dma_wait3A_519 = tpu.memref_squeeze %dma_wait3A_518 : memref<1x99xi32, #tpu.memory_space<vmem>> -> memref<99xi32, #tpu.memory_space<vmem>>
        %dma_wait3A_520 = arith.constant 0 : i32
        %dma_wait3A_521 = arith.constant 0 : i32
        %dma_wait3A_522 = tpu.memref_slice %arg6[%dma_wait3A_520, %dma_wait3A_521] : memref<101376x128xf32, #tpu.memory_space<hbm>> -> memref<101376x128xf32, #tpu.memory_space<hbm>>
        tpu.wait_indirect_dma semaphore(%run_scoped3A_18 : memref<!tpu.dma_semaphore, #tpu.memory_space<semaphore_mem>>) src(%dma_wait3A_516 : memref<99x128xf32, #tpu.memory_space<vmem>>) dst(%dma_wait3A_522 : memref<101376x128xf32, #tpu.memory_space<hbm>>)
        %dma_wait3A_523 = arith.constant 0 : i32
        %dma_wait3A_524 = arith.constant 0 : i32
        %dma_wait3A_525 = tpu.memref_slice %arg12[%dma_wait3A_523, %dma_wait3A_524] : memref<112x128xf32, #tpu.memory_space<vmem>> -> memref<99x128xf32, #tpu.memory_space<vmem>>
        %dma_wait3A_526 = arith.constant 0 : i32
        %dma_wait3A_527 = tpu.memref_slice %arg13[%sub3A_513, %dma_wait3A_526] : memref<32x99xi32, #tpu.memory_space<vmem>> -> memref<1x99xi32, #tpu.memory_space<vmem>>
        %dma_wait3A_528 = tpu.memref_squeeze %dma_wait3A_527 : memref<1x99xi32, #tpu.memory_space<vmem>> -> memref<99xi32, #tpu.memory_space<vmem>>
        %dma_wait3A_529 = arith.constant 0 : i32
        %dma_wait3A_530 = arith.constant 0 : i32
        %dma_wait3A_531 = tpu.memref_slice %arg7[%dma_wait3A_529, %dma_wait3A_530] : memref<101376x128xf32, #tpu.memory_space<hbm>> -> memref<101376x128xf32, #tpu.memory_space<hbm>>
        tpu.wait_indirect_dma semaphore(%run_scoped3A_18 : memref<!tpu.dma_semaphore, #tpu.memory_space<semaphore_mem>>) src(%dma_wait3A_525 : memref<99x128xf32, #tpu.memory_space<vmem>>) dst(%dma_wait3A_531 : memref<101376x128xf32, #tpu.memory_space<hbm>>)
        %add3A_532 = arith.constant 1 : i32
        %add3A_533 = arith.addi %mul3A_459, %add3A_532 : i32
        %dma_start3A_534 = arith.constant 50 : i32
        %dma_start3A_535 = arith.constant 0 : i32
        %dma_start3A_536 = tpu.memref_slice %arg10[%dma_start3A_534, %dma_start3A_535] : memref<112x128xf32, #tpu.memory_space<vmem>> -> memref<56x128xf32, #tpu.memory_space<vmem>>
        %dma_start3A_537 = arith.constant 0 : i32
        %dma_start3A_538 = tpu.memref_slice %arg8[%add3A_533, %dma_start3A_537] : memref<32x128xi32, #tpu.memory_space<vmem>> -> memref<1x56xi32, #tpu.memory_space<vmem>>
        %dma_start3A_539 = tpu.memref_squeeze %dma_start3A_538 : memref<1x56xi32, #tpu.memory_space<vmem>> -> memref<56xi32, #tpu.memory_space<vmem>>
        %dma_start3A_540 = arith.constant 0 : i32
        %dma_start3A_541 = arith.constant 0 : i32
        %dma_start3A_542 = tpu.memref_slice %arg4[%dma_start3A_540, %dma_start3A_541] : memref<100000x128xf32, #tpu.memory_space<hbm>> -> memref<100000x128xf32, #tpu.memory_space<hbm>>
        tpu.enqueue_indirect_dma source(%dma_start3A_542 : memref<100000x128xf32, #tpu.memory_space<hbm>>) target(%dma_start3A_536 : memref<56x128xf32, #tpu.memory_space<vmem>>) offsets(%dma_start3A_539 : memref<56xi32, #tpu.memory_space<vmem>>) semaphore(%run_scoped3A_16 : memref<!tpu.dma_semaphore, #tpu.memory_space<semaphore_mem>>)
        %dma_start3A_543 = arith.constant 50 : i32
        %dma_start3A_544 = arith.constant 0 : i32
        %dma_start3A_545 = tpu.memref_slice %arg12[%dma_start3A_543, %dma_start3A_544] : memref<112x128xf32, #tpu.memory_space<vmem>> -> memref<56x128xf32, #tpu.memory_space<vmem>>
        %dma_start3A_546 = arith.constant 0 : i32
        %dma_start3A_547 = tpu.memref_slice %arg8[%add3A_533, %dma_start3A_546] : memref<32x128xi32, #tpu.memory_space<vmem>> -> memref<1x56xi32, #tpu.memory_space<vmem>>
        %dma_start3A_548 = tpu.memref_squeeze %dma_start3A_547 : memref<1x56xi32, #tpu.memory_space<vmem>> -> memref<56xi32, #tpu.memory_space<vmem>>
        %dma_start3A_549 = arith.constant 0 : i32
        %dma_start3A_550 = arith.constant 0 : i32
        %dma_start3A_551 = tpu.memref_slice %arg5[%dma_start3A_549, %dma_start3A_550] : memref<100000x128xf32, #tpu.memory_space<hbm>> -> memref<100000x128xf32, #tpu.memory_space<hbm>>
        tpu.enqueue_indirect_dma source(%dma_start3A_551 : memref<100000x128xf32, #tpu.memory_space<hbm>>) target(%dma_start3A_545 : memref<56x128xf32, #tpu.memory_space<vmem>>) offsets(%dma_start3A_548 : memref<56xi32, #tpu.memory_space<vmem>>) semaphore(%run_scoped3A_16 : memref<!tpu.dma_semaphore, #tpu.memory_space<semaphore_mem>>)
        %add3A_552 = arith.addi %mul3A_2, %add3A_533 : i32
        %mul3A_553 = arith.constant 50 : i32
        %mul3A_554 = arith.muli %add3A_552, %mul3A_553 : i32
        %dma_start3A_555 = arith.constant 0 : i32
        %dma_start3A_556 = arith.constant 0 : i32
        %dma_start3A_557 = tpu.memref_slice %arg10[%dma_start3A_555, %dma_start3A_556] : memref<112x128xf32, #tpu.memory_space<vmem>> -> memref<50x128xf32, #tpu.memory_space<vmem>>
        %dma_start3A_558 = arith.constant 0 : i32
        %dma_start3A_559 = tpu.memref_slice %arg2[%mul3A_554, %dma_start3A_558] : memref<51200x128xf32, #tpu.memory_space<hbm>> -> memref<50x128xf32, #tpu.memory_space<hbm>>
        %dma_start3A_560 = arith.constant 0 : i32
        %dma_start3A_561 = arith.constant 0 : i32
        %dma_start3A_562 = tpu.memref_slice %arg10[%dma_start3A_560, %dma_start3A_561] : memref<112x128xf32, #tpu.memory_space<vmem>> -> memref<50x128xf32, #tpu.memory_space<vmem>>
        %dma_start3A_563 = arith.constant 0 : i32
        %dma_start3A_564 = tpu.memref_slice %arg2[%mul3A_554, %dma_start3A_563] : memref<51200x128xf32, #tpu.memory_space<hbm>> -> memref<50x128xf32, #tpu.memory_space<hbm>>
        tpu.enqueue_dma source(%dma_start3A_564 : memref<50x128xf32, #tpu.memory_space<hbm>>) target(%dma_start3A_562 : memref<50x128xf32, #tpu.memory_space<vmem>>) target_semaphore(%run_scoped3A_16 : memref<!tpu.dma_semaphore, #tpu.memory_space<semaphore_mem>>)
        %dma_wait3A_565 = arith.constant 50 : i32
        %dma_wait3A_566 = arith.constant 0 : i32
        %dma_wait3A_567 = tpu.memref_slice %arg10[%dma_wait3A_565, %dma_wait3A_566] : memref<112x128xf32, #tpu.memory_space<vmem>> -> memref<56x128xf32, #tpu.memory_space<vmem>>
        %dma_wait3A_568 = arith.constant 0 : i32
        %dma_wait3A_569 = tpu.memref_slice %arg8[%add3A_463, %dma_wait3A_568] : memref<32x128xi32, #tpu.memory_space<vmem>> -> memref<1x56xi32, #tpu.memory_space<vmem>>
        %dma_wait3A_570 = tpu.memref_squeeze %dma_wait3A_569 : memref<1x56xi32, #tpu.memory_space<vmem>> -> memref<56xi32, #tpu.memory_space<vmem>>
        %dma_wait3A_571 = arith.constant 0 : i32
        %dma_wait3A_572 = arith.constant 0 : i32
        %dma_wait3A_573 = tpu.memref_slice %arg4[%dma_wait3A_571, %dma_wait3A_572] : memref<100000x128xf32, #tpu.memory_space<hbm>> -> memref<100000x128xf32, #tpu.memory_space<hbm>>
        tpu.wait_indirect_dma semaphore(%run_scoped3A_16 : memref<!tpu.dma_semaphore, #tpu.memory_space<semaphore_mem>>) src(%dma_wait3A_573 : memref<100000x128xf32, #tpu.memory_space<hbm>>) dst(%dma_wait3A_567 : memref<56x128xf32, #tpu.memory_space<vmem>>)
        %dma_wait3A_574 = arith.constant 50 : i32
        %dma_wait3A_575 = arith.constant 0 : i32
        %dma_wait3A_576 = tpu.memref_slice %arg12[%dma_wait3A_574, %dma_wait3A_575] : memref<112x128xf32, #tpu.memory_space<vmem>> -> memref<56x128xf32, #tpu.memory_space<vmem>>
        %dma_wait3A_577 = arith.constant 0 : i32
        %dma_wait3A_578 = tpu.memref_slice %arg8[%add3A_463, %dma_wait3A_577] : memref<32x128xi32, #tpu.memory_space<vmem>> -> memref<1x56xi32, #tpu.memory_space<vmem>>
        %dma_wait3A_579 = tpu.memref_squeeze %dma_wait3A_578 : memref<1x56xi32, #tpu.memory_space<vmem>> -> memref<56xi32, #tpu.memory_space<vmem>>
        %dma_wait3A_580 = arith.constant 0 : i32
        %dma_wait3A_581 = arith.constant 0 : i32
        %dma_wait3A_582 = tpu.memref_slice %arg5[%dma_wait3A_580, %dma_wait3A_581] : memref<100000x128xf32, #tpu.memory_space<hbm>> -> memref<100000x128xf32, #tpu.memory_space<hbm>>
        tpu.wait_indirect_dma semaphore(%run_scoped3A_16 : memref<!tpu.dma_semaphore, #tpu.memory_space<semaphore_mem>>) src(%dma_wait3A_582 : memref<100000x128xf32, #tpu.memory_space<hbm>>) dst(%dma_wait3A_576 : memref<56x128xf32, #tpu.memory_space<vmem>>)
        %add3A_583 = arith.addi %mul3A_2, %add3A_463 : i32
        %mul3A_584 = arith.constant 50 : i32
        %mul3A_585 = arith.muli %add3A_583, %mul3A_584 : i32
        %dma_wait3A_586 = arith.constant 0 : i32
        %dma_wait3A_587 = arith.constant 0 : i32
        %dma_wait3A_588 = tpu.memref_slice %arg10[%dma_wait3A_586, %dma_wait3A_587] : memref<112x128xf32, #tpu.memory_space<vmem>> -> memref<50x128xf32, #tpu.memory_space<vmem>>
        %dma_wait3A_589 = arith.constant 0 : i32
        %dma_wait3A_590 = tpu.memref_slice %arg2[%mul3A_585, %dma_wait3A_589] : memref<51200x128xf32, #tpu.memory_space<hbm>> -> memref<50x128xf32, #tpu.memory_space<hbm>>
        %dma_wait3A_591 = arith.constant 0 : i32
        %dma_wait3A_592 = arith.constant 0 : i32
        %dma_wait3A_593 = tpu.memref_slice %arg10[%dma_wait3A_591, %dma_wait3A_592] : memref<112x128xf32, #tpu.memory_space<vmem>> -> memref<50x128xf32, #tpu.memory_space<vmem>>
        %dma_wait3A_594 = arith.constant 0 : i32
        %dma_wait3A_595 = tpu.memref_slice %arg2[%mul3A_585, %dma_wait3A_594] : memref<51200x128xf32, #tpu.memory_space<hbm>> -> memref<50x128xf32, #tpu.memory_space<hbm>>
        tpu.wait_dma2 semaphore(%run_scoped3A_16 : memref<!tpu.dma_semaphore, #tpu.memory_space<semaphore_mem>>) src(%dma_wait3A_595 : memref<50x128xf32, #tpu.memory_space<hbm>>) dst(%dma_wait3A_593 : memref<50x128xf32, #tpu.memory_space<vmem>>)
        %dma_start3A_596 = arith.constant 0 : i32
        %dma_start3A_597 = arith.constant 0 : i32
        %dma_start3A_598 = tpu.memref_slice %arg10[%dma_start3A_596, %dma_start3A_597] : memref<112x128xf32, #tpu.memory_space<vmem>> -> memref<99x128xf32, #tpu.memory_space<vmem>>
        %dma_start3A_599 = arith.constant 0 : i32
        %dma_start3A_600 = tpu.memref_slice %arg13[%add3A_463, %dma_start3A_599] : memref<32x99xi32, #tpu.memory_space<vmem>> -> memref<1x99xi32, #tpu.memory_space<vmem>>
        %dma_start3A_601 = tpu.memref_squeeze %dma_start3A_600 : memref<1x99xi32, #tpu.memory_space<vmem>> -> memref<99xi32, #tpu.memory_space<vmem>>
        %dma_start3A_602 = arith.constant 0 : i32
        %dma_start3A_603 = arith.constant 0 : i32
        %dma_start3A_604 = tpu.memref_slice %arg6[%dma_start3A_602, %dma_start3A_603] : memref<101376x128xf32, #tpu.memory_space<hbm>> -> memref<101376x128xf32, #tpu.memory_space<hbm>>
        tpu.enqueue_indirect_dma source(%dma_start3A_598 : memref<99x128xf32, #tpu.memory_space<vmem>>) target(%dma_start3A_604 : memref<101376x128xf32, #tpu.memory_space<hbm>>) offsets(%dma_start3A_601 : memref<99xi32, #tpu.memory_space<vmem>>) semaphore(%run_scoped3A_18 : memref<!tpu.dma_semaphore, #tpu.memory_space<semaphore_mem>>)
        %dma_start3A_605 = arith.constant 0 : i32
        %dma_start3A_606 = arith.constant 0 : i32
        %dma_start3A_607 = tpu.memref_slice %arg12[%dma_start3A_605, %dma_start3A_606] : memref<112x128xf32, #tpu.memory_space<vmem>> -> memref<99x128xf32, #tpu.memory_space<vmem>>
        %dma_start3A_608 = arith.constant 0 : i32
        %dma_start3A_609 = tpu.memref_slice %arg13[%add3A_463, %dma_start3A_608] : memref<32x99xi32, #tpu.memory_space<vmem>> -> memref<1x99xi32, #tpu.memory_space<vmem>>
        %dma_start3A_610 = tpu.memref_squeeze %dma_start3A_609 : memref<1x99xi32, #tpu.memory_space<vmem>> -> memref<99xi32, #tpu.memory_space<vmem>>
        %dma_start3A_611 = arith.constant 0 : i32
        %dma_start3A_612 = arith.constant 0 : i32
        %dma_start3A_613 = tpu.memref_slice %arg7[%dma_start3A_611, %dma_start3A_612] : memref<101376x128xf32, #tpu.memory_space<hbm>> -> memref<101376x128xf32, #tpu.memory_space<hbm>>
        tpu.enqueue_indirect_dma source(%dma_start3A_607 : memref<99x128xf32, #tpu.memory_space<vmem>>) target(%dma_start3A_613 : memref<101376x128xf32, #tpu.memory_space<hbm>>) offsets(%dma_start3A_610 : memref<99xi32, #tpu.memory_space<vmem>>) semaphore(%run_scoped3A_18 : memref<!tpu.dma_semaphore, #tpu.memory_space<semaphore_mem>>)
        %sub3A_614 = arith.constant 1 : i32
        %sub3A_615 = arith.subi %add3A_463, %sub3A_614 : i32
        %dma_wait3A_616 = arith.constant 0 : i32
        %dma_wait3A_617 = arith.constant 0 : i32
        %dma_wait3A_618 = tpu.memref_slice %arg9[%dma_wait3A_616, %dma_wait3A_617] : memref<112x128xf32, #tpu.memory_space<vmem>> -> memref<99x128xf32, #tpu.memory_space<vmem>>
        %dma_wait3A_619 = arith.constant 0 : i32
        %dma_wait3A_620 = tpu.memref_slice %arg13[%sub3A_615, %dma_wait3A_619] : memref<32x99xi32, #tpu.memory_space<vmem>> -> memref<1x99xi32, #tpu.memory_space<vmem>>
        %dma_wait3A_621 = tpu.memref_squeeze %dma_wait3A_620 : memref<1x99xi32, #tpu.memory_space<vmem>> -> memref<99xi32, #tpu.memory_space<vmem>>
        %dma_wait3A_622 = arith.constant 0 : i32
        %dma_wait3A_623 = arith.constant 0 : i32
        %dma_wait3A_624 = tpu.memref_slice %arg6[%dma_wait3A_622, %dma_wait3A_623] : memref<101376x128xf32, #tpu.memory_space<hbm>> -> memref<101376x128xf32, #tpu.memory_space<hbm>>
        tpu.wait_indirect_dma semaphore(%run_scoped3A_17 : memref<!tpu.dma_semaphore, #tpu.memory_space<semaphore_mem>>) src(%dma_wait3A_618 : memref<99x128xf32, #tpu.memory_space<vmem>>) dst(%dma_wait3A_624 : memref<101376x128xf32, #tpu.memory_space<hbm>>)
        %dma_wait3A_625 = arith.constant 0 : i32
        %dma_wait3A_626 = arith.constant 0 : i32
        %dma_wait3A_627 = tpu.memref_slice %arg11[%dma_wait3A_625, %dma_wait3A_626] : memref<112x128xf32, #tpu.memory_space<vmem>> -> memref<99x128xf32, #tpu.memory_space<vmem>>
        %dma_wait3A_628 = arith.constant 0 : i32
        %dma_wait3A_629 = tpu.memref_slice %arg13[%sub3A_615, %dma_wait3A_628] : memref<32x99xi32, #tpu.memory_space<vmem>> -> memref<1x99xi32, #tpu.memory_space<vmem>>
        %dma_wait3A_630 = tpu.memref_squeeze %dma_wait3A_629 : memref<1x99xi32, #tpu.memory_space<vmem>> -> memref<99xi32, #tpu.memory_space<vmem>>
        %dma_wait3A_631 = arith.constant 0 : i32
        %dma_wait3A_632 = arith.constant 0 : i32
        %dma_wait3A_633 = tpu.memref_slice %arg7[%dma_wait3A_631, %dma_wait3A_632] : memref<101376x128xf32, #tpu.memory_space<hbm>> -> memref<101376x128xf32, #tpu.memory_space<hbm>>
        tpu.wait_indirect_dma semaphore(%run_scoped3A_17 : memref<!tpu.dma_semaphore, #tpu.memory_space<semaphore_mem>>) src(%dma_wait3A_627 : memref<99x128xf32, #tpu.memory_space<vmem>>) dst(%dma_wait3A_633 : memref<101376x128xf32, #tpu.memory_space<hbm>>)
        %add3A_634 = arith.constant 1 : i32
        %add3A_635 = arith.addi %add3A_463, %add3A_634 : i32
        %dma_start3A_636 = arith.constant 50 : i32
        %dma_start3A_637 = arith.constant 0 : i32
        %dma_start3A_638 = tpu.memref_slice %arg9[%dma_start3A_636, %dma_start3A_637] : memref<112x128xf32, #tpu.memory_space<vmem>> -> memref<56x128xf32, #tpu.memory_space<vmem>>
        %dma_start3A_639 = arith.constant 0 : i32
        %dma_start3A_640 = tpu.memref_slice %arg8[%add3A_635, %dma_start3A_639] : memref<32x128xi32, #tpu.memory_space<vmem>> -> memref<1x56xi32, #tpu.memory_space<vmem>>
        %dma_start3A_641 = tpu.memref_squeeze %dma_start3A_640 : memref<1x56xi32, #tpu.memory_space<vmem>> -> memref<56xi32, #tpu.memory_space<vmem>>
        %dma_start3A_642 = arith.constant 0 : i32
        %dma_start3A_643 = arith.constant 0 : i32
        %dma_start3A_644 = tpu.memref_slice %arg4[%dma_start3A_642, %dma_start3A_643] : memref<100000x128xf32, #tpu.memory_space<hbm>> -> memref<100000x128xf32, #tpu.memory_space<hbm>>
        tpu.enqueue_indirect_dma source(%dma_start3A_644 : memref<100000x128xf32, #tpu.memory_space<hbm>>) target(%dma_start3A_638 : memref<56x128xf32, #tpu.memory_space<vmem>>) offsets(%dma_start3A_641 : memref<56xi32, #tpu.memory_space<vmem>>) semaphore(%run_scoped3A : memref<!tpu.dma_semaphore, #tpu.memory_space<semaphore_mem>>)
        %dma_start3A_645 = arith.constant 50 : i32
        %dma_start3A_646 = arith.constant 0 : i32
        %dma_start3A_647 = tpu.memref_slice %arg11[%dma_start3A_645, %dma_start3A_646] : memref<112x128xf32, #tpu.memory_space<vmem>> -> memref<56x128xf32, #tpu.memory_space<vmem>>
        %dma_start3A_648 = arith.constant 0 : i32
        %dma_start3A_649 = tpu.memref_slice %arg8[%add3A_635, %dma_start3A_648] : memref<32x128xi32, #tpu.memory_space<vmem>> -> memref<1x56xi32, #tpu.memory_space<vmem>>
        %dma_start3A_650 = tpu.memref_squeeze %dma_start3A_649 : memref<1x56xi32, #tpu.memory_space<vmem>> -> memref<56xi32, #tpu.memory_space<vmem>>
        %dma_start3A_651 = arith.constant 0 : i32
        %dma_start3A_652 = arith.constant 0 : i32
        %dma_start3A_653 = tpu.memref_slice %arg5[%dma_start3A_651, %dma_start3A_652] : memref<100000x128xf32, #tpu.memory_space<hbm>> -> memref<100000x128xf32, #tpu.memory_space<hbm>>
        tpu.enqueue_indirect_dma source(%dma_start3A_653 : memref<100000x128xf32, #tpu.memory_space<hbm>>) target(%dma_start3A_647 : memref<56x128xf32, #tpu.memory_space<vmem>>) offsets(%dma_start3A_650 : memref<56xi32, #tpu.memory_space<vmem>>) semaphore(%run_scoped3A : memref<!tpu.dma_semaphore, #tpu.memory_space<semaphore_mem>>)
        %add3A_654 = arith.addi %mul3A_2, %add3A_635 : i32
        %mul3A_655 = arith.constant 50 : i32
        %mul3A_656 = arith.muli %add3A_654, %mul3A_655 : i32
        %dma_start3A_657 = arith.constant 0 : i32
        %dma_start3A_658 = arith.constant 0 : i32
        %dma_start3A_659 = tpu.memref_slice %arg9[%dma_start3A_657, %dma_start3A_658] : memref<112x128xf32, #tpu.memory_space<vmem>> -> memref<50x128xf32, #tpu.memory_space<vmem>>
        %dma_start3A_660 = arith.constant 0 : i32
        %dma_start3A_661 = tpu.memref_slice %arg2[%mul3A_656, %dma_start3A_660] : memref<51200x128xf32, #tpu.memory_space<hbm>> -> memref<50x128xf32, #tpu.memory_space<hbm>>
        %dma_start3A_662 = arith.constant 0 : i32
        %dma_start3A_663 = arith.constant 0 : i32
        %dma_start3A_664 = tpu.memref_slice %arg9[%dma_start3A_662, %dma_start3A_663] : memref<112x128xf32, #tpu.memory_space<vmem>> -> memref<50x128xf32, #tpu.memory_space<vmem>>
        %dma_start3A_665 = arith.constant 0 : i32
        %dma_start3A_666 = tpu.memref_slice %arg2[%mul3A_656, %dma_start3A_665] : memref<51200x128xf32, #tpu.memory_space<hbm>> -> memref<50x128xf32, #tpu.memory_space<hbm>>
        tpu.enqueue_dma source(%dma_start3A_666 : memref<50x128xf32, #tpu.memory_space<hbm>>) target(%dma_start3A_664 : memref<50x128xf32, #tpu.memory_space<vmem>>) target_semaphore(%run_scoped3A : memref<!tpu.dma_semaphore, #tpu.memory_space<semaphore_mem>>)
        %scan3A_667 = arith.constant 0 : i32
        scf.yield %scan3A_667 : i32
      }
      %scan3A_253 = arith.constant 14 : i32
      %dma_wait3A_254 = arith.constant 30 : i32
      %dma_wait3A_255 = arith.constant 50 : i32
      %dma_wait3A_256 = arith.constant 0 : i32
      %dma_wait3A_257 = tpu.memref_slice %arg9[%dma_wait3A_255, %dma_wait3A_256] : memref<112x128xf32, #tpu.memory_space<vmem>> -> memref<56x128xf32, #tpu.memory_space<vmem>>
      %dma_wait3A_258 = arith.constant 0 : i32
      %dma_wait3A_259 = tpu.memref_slice %arg8[%dma_wait3A_254, %dma_wait3A_258] : memref<32x128xi32, #tpu.memory_space<vmem>> -> memref<1x56xi32, #tpu.memory_space<vmem>>
      %dma_wait3A_260 = tpu.memref_squeeze %dma_wait3A_259 : memref<1x56xi32, #tpu.memory_space<vmem>> -> memref<56xi32, #tpu.memory_space<vmem>>
      %dma_wait3A_261 = arith.constant 0 : i32
      %dma_wait3A_262 = arith.constant 0 : i32
      %dma_wait3A_263 = tpu.memref_slice %arg4[%dma_wait3A_261, %dma_wait3A_262] : memref<100000x128xf32, #tpu.memory_space<hbm>> -> memref<100000x128xf32, #tpu.memory_space<hbm>>
      tpu.wait_indirect_dma semaphore(%run_scoped3A : memref<!tpu.dma_semaphore, #tpu.memory_space<semaphore_mem>>) src(%dma_wait3A_263 : memref<100000x128xf32, #tpu.memory_space<hbm>>) dst(%dma_wait3A_257 : memref<56x128xf32, #tpu.memory_space<vmem>>)
      %dma_wait3A_264 = arith.constant 30 : i32
      %dma_wait3A_265 = arith.constant 50 : i32
      %dma_wait3A_266 = arith.constant 0 : i32
      %dma_wait3A_267 = tpu.memref_slice %arg11[%dma_wait3A_265, %dma_wait3A_266] : memref<112x128xf32, #tpu.memory_space<vmem>> -> memref<56x128xf32, #tpu.memory_space<vmem>>
      %dma_wait3A_268 = arith.constant 0 : i32
      %dma_wait3A_269 = tpu.memref_slice %arg8[%dma_wait3A_264, %dma_wait3A_268] : memref<32x128xi32, #tpu.memory_space<vmem>> -> memref<1x56xi32, #tpu.memory_space<vmem>>
      %dma_wait3A_270 = tpu.memref_squeeze %dma_wait3A_269 : memref<1x56xi32, #tpu.memory_space<vmem>> -> memref<56xi32, #tpu.memory_space<vmem>>
      %dma_wait3A_271 = arith.constant 0 : i32
      %dma_wait3A_272 = arith.constant 0 : i32
      %dma_wait3A_273 = tpu.memref_slice %arg5[%dma_wait3A_271, %dma_wait3A_272] : memref<100000x128xf32, #tpu.memory_space<hbm>> -> memref<100000x128xf32, #tpu.memory_space<hbm>>
      tpu.wait_indirect_dma semaphore(%run_scoped3A : memref<!tpu.dma_semaphore, #tpu.memory_space<semaphore_mem>>) src(%dma_wait3A_273 : memref<100000x128xf32, #tpu.memory_space<hbm>>) dst(%dma_wait3A_267 : memref<56x128xf32, #tpu.memory_space<vmem>>)
      %add3A_274 = arith.constant 30 : i32
      %add3A_275 = arith.addi %mul3A_2, %add3A_274 : i32
      %mul3A_276 = arith.constant 50 : i32
      %mul3A_277 = arith.muli %add3A_275, %mul3A_276 : i32
      %dma_wait3A_278 = arith.constant 0 : i32
      %dma_wait3A_279 = arith.constant 0 : i32
      %dma_wait3A_280 = tpu.memref_slice %arg9[%dma_wait3A_278, %dma_wait3A_279] : memref<112x128xf32, #tpu.memory_space<vmem>> -> memref<50x128xf32, #tpu.memory_space<vmem>>
      %dma_wait3A_281 = arith.constant 0 : i32
      %dma_wait3A_282 = tpu.memref_slice %arg2[%mul3A_277, %dma_wait3A_281] : memref<51200x128xf32, #tpu.memory_space<hbm>> -> memref<50x128xf32, #tpu.memory_space<hbm>>
      %dma_wait3A_283 = arith.constant 0 : i32
      %dma_wait3A_284 = arith.constant 0 : i32
      %dma_wait3A_285 = tpu.memref_slice %arg9[%dma_wait3A_283, %dma_wait3A_284] : memref<112x128xf32, #tpu.memory_space<vmem>> -> memref<50x128xf32, #tpu.memory_space<vmem>>
      %dma_wait3A_286 = arith.constant 0 : i32
      %dma_wait3A_287 = tpu.memref_slice %arg2[%mul3A_277, %dma_wait3A_286] : memref<51200x128xf32, #tpu.memory_space<hbm>> -> memref<50x128xf32, #tpu.memory_space<hbm>>
      tpu.wait_dma2 semaphore(%run_scoped3A : memref<!tpu.dma_semaphore, #tpu.memory_space<semaphore_mem>>) src(%dma_wait3A_287 : memref<50x128xf32, #tpu.memory_space<hbm>>) dst(%dma_wait3A_285 : memref<50x128xf32, #tpu.memory_space<vmem>>)
      %dma_start3A_288 = arith.constant 30 : i32
      %dma_start3A_289 = arith.constant 0 : i32
      %dma_start3A_290 = arith.constant 0 : i32
      %dma_start3A_291 = tpu.memref_slice %arg9[%dma_start3A_289, %dma_start3A_290] : memref<112x128xf32, #tpu.memory_space<vmem>> -> memref<99x128xf32, #tpu.memory_space<vmem>>
      %dma_start3A_292 = arith.constant 0 : i32
      %dma_start3A_293 = tpu.memref_slice %arg13[%dma_start3A_288, %dma_start3A_292] : memref<32x99xi32, #tpu.memory_space<vmem>> -> memref<1x99xi32, #tpu.memory_space<vmem>>
      %dma_start3A_294 = tpu.memref_squeeze %dma_start3A_293 : memref<1x99xi32, #tpu.memory_space<vmem>> -> memref<99xi32, #tpu.memory_space<vmem>>
      %dma_start3A_295 = arith.constant 0 : i32
      %dma_start3A_296 = arith.constant 0 : i32
      %dma_start3A_297 = tpu.memref_slice %arg6[%dma_start3A_295, %dma_start3A_296] : memref<101376x128xf32, #tpu.memory_space<hbm>> -> memref<101376x128xf32, #tpu.memory_space<hbm>>
      tpu.enqueue_indirect_dma source(%dma_start3A_291 : memref<99x128xf32, #tpu.memory_space<vmem>>) target(%dma_start3A_297 : memref<101376x128xf32, #tpu.memory_space<hbm>>) offsets(%dma_start3A_294 : memref<99xi32, #tpu.memory_space<vmem>>) semaphore(%run_scoped3A_17 : memref<!tpu.dma_semaphore, #tpu.memory_space<semaphore_mem>>)
      %dma_start3A_298 = arith.constant 30 : i32
      %dma_start3A_299 = arith.constant 0 : i32
      %dma_start3A_300 = arith.constant 0 : i32
      %dma_start3A_301 = tpu.memref_slice %arg11[%dma_start3A_299, %dma_start3A_300] : memref<112x128xf32, #tpu.memory_space<vmem>> -> memref<99x128xf32, #tpu.memory_space<vmem>>
      %dma_start3A_302 = arith.constant 0 : i32
      %dma_start3A_303 = tpu.memref_slice %arg13[%dma_start3A_298, %dma_start3A_302] : memref<32x99xi32, #tpu.memory_space<vmem>> -> memref<1x99xi32, #tpu.memory_space<vmem>>
      %dma_start3A_304 = tpu.memref_squeeze %dma_start3A_303 : memref<1x99xi32, #tpu.memory_space<vmem>> -> memref<99xi32, #tpu.memory_space<vmem>>
      %dma_start3A_305 = arith.constant 0 : i32
      %dma_start3A_306 = arith.constant 0 : i32
      %dma_start3A_307 = tpu.memref_slice %arg7[%dma_start3A_305, %dma_start3A_306] : memref<101376x128xf32, #tpu.memory_space<hbm>> -> memref<101376x128xf32, #tpu.memory_space<hbm>>
      tpu.enqueue_indirect_dma source(%dma_start3A_301 : memref<99x128xf32, #tpu.memory_space<vmem>>) target(%dma_start3A_307 : memref<101376x128xf32, #tpu.memory_space<hbm>>) offsets(%dma_start3A_304 : memref<99xi32, #tpu.memory_space<vmem>>) semaphore(%run_scoped3A_17 : memref<!tpu.dma_semaphore, #tpu.memory_space<semaphore_mem>>)
      %dma_wait3A_308 = arith.constant 29 : i32
      %dma_wait3A_309 = arith.constant 0 : i32
      %dma_wait3A_310 = arith.constant 0 : i32
      %dma_wait3A_311 = tpu.memref_slice %arg10[%dma_wait3A_309, %dma_wait3A_310] : memref<112x128xf32, #tpu.memory_space<vmem>> -> memref<99x128xf32, #tpu.memory_space<vmem>>
      %dma_wait3A_312 = arith.constant 0 : i32
      %dma_wait3A_313 = tpu.memref_slice %arg13[%dma_wait3A_308, %dma_wait3A_312] : memref<32x99xi32, #tpu.memory_space<vmem>> -> memref<1x99xi32, #tpu.memory_space<vmem>>
      %dma_wait3A_314 = tpu.memref_squeeze %dma_wait3A_313 : memref<1x99xi32, #tpu.memory_space<vmem>> -> memref<99xi32, #tpu.memory_space<vmem>>
      %dma_wait3A_315 = arith.constant 0 : i32
      %dma_wait3A_316 = arith.constant 0 : i32
      %dma_wait3A_317 = tpu.memref_slice %arg6[%dma_wait3A_315, %dma_wait3A_316] : memref<101376x128xf32, #tpu.memory_space<hbm>> -> memref<101376x128xf32, #tpu.memory_space<hbm>>
      tpu.wait_indirect_dma semaphore(%run_scoped3A_18 : memref<!tpu.dma_semaphore, #tpu.memory_space<semaphore_mem>>) src(%dma_wait3A_311 : memref<99x128xf32, #tpu.memory_space<vmem>>) dst(%dma_wait3A_317 : memref<101376x128xf32, #tpu.memory_space<hbm>>)
      %dma_wait3A_318 = arith.constant 29 : i32
      %dma_wait3A_319 = arith.constant 0 : i32
      %dma_wait3A_320 = arith.constant 0 : i32
      %dma_wait3A_321 = tpu.memref_slice %arg12[%dma_wait3A_319, %dma_wait3A_320] : memref<112x128xf32, #tpu.memory_space<vmem>> -> memref<99x128xf32, #tpu.memory_space<vmem>>
      %dma_wait3A_322 = arith.constant 0 : i32
      %dma_wait3A_323 = tpu.memref_slice %arg13[%dma_wait3A_318, %dma_wait3A_322] : memref<32x99xi32, #tpu.memory_space<vmem>> -> memref<1x99xi32, #tpu.memory_space<vmem>>
      %dma_wait3A_324 = tpu.memref_squeeze %dma_wait3A_323 : memref<1x99xi32, #tpu.memory_space<vmem>> -> memref<99xi32, #tpu.memory_space<vmem>>
      %dma_wait3A_325 = arith.constant 0 : i32
      %dma_wait3A_326 = arith.constant 0 : i32
      %dma_wait3A_327 = tpu.memref_slice %arg7[%dma_wait3A_325, %dma_wait3A_326] : memref<101376x128xf32, #tpu.memory_space<hbm>> -> memref<101376x128xf32, #tpu.memory_space<hbm>>
      tpu.wait_indirect_dma semaphore(%run_scoped3A_18 : memref<!tpu.dma_semaphore, #tpu.memory_space<semaphore_mem>>) src(%dma_wait3A_321 : memref<99x128xf32, #tpu.memory_space<vmem>>) dst(%dma_wait3A_327 : memref<101376x128xf32, #tpu.memory_space<hbm>>)
      %dma_start3A_328 = arith.constant 31 : i32
      %dma_start3A_329 = arith.constant 50 : i32
      %dma_start3A_330 = arith.constant 0 : i32
      %dma_start3A_331 = tpu.memref_slice %arg10[%dma_start3A_329, %dma_start3A_330] : memref<112x128xf32, #tpu.memory_space<vmem>> -> memref<56x128xf32, #tpu.memory_space<vmem>>
      %dma_start3A_332 = arith.constant 0 : i32
      %dma_start3A_333 = tpu.memref_slice %arg8[%dma_start3A_328, %dma_start3A_332] : memref<32x128xi32, #tpu.memory_space<vmem>> -> memref<1x56xi32, #tpu.memory_space<vmem>>
      %dma_start3A_334 = tpu.memref_squeeze %dma_start3A_333 : memref<1x56xi32, #tpu.memory_space<vmem>> -> memref<56xi32, #tpu.memory_space<vmem>>
      %dma_start3A_335 = arith.constant 0 : i32
      %dma_start3A_336 = arith.constant 0 : i32
      %dma_start3A_337 = tpu.memref_slice %arg4[%dma_start3A_335, %dma_start3A_336] : memref<100000x128xf32, #tpu.memory_space<hbm>> -> memref<100000x128xf32, #tpu.memory_space<hbm>>
      tpu.enqueue_indirect_dma source(%dma_start3A_337 : memref<100000x128xf32, #tpu.memory_space<hbm>>) target(%dma_start3A_331 : memref<56x128xf32, #tpu.memory_space<vmem>>) offsets(%dma_start3A_334 : memref<56xi32, #tpu.memory_space<vmem>>) semaphore(%run_scoped3A_16 : memref<!tpu.dma_semaphore, #tpu.memory_space<semaphore_mem>>)
      %dma_start3A_338 = arith.constant 31 : i32
      %dma_start3A_339 = arith.constant 50 : i32
      %dma_start3A_340 = arith.constant 0 : i32
      %dma_start3A_341 = tpu.memref_slice %arg12[%dma_start3A_339, %dma_start3A_340] : memref<112x128xf32, #tpu.memory_space<vmem>> -> memref<56x128xf32, #tpu.memory_space<vmem>>
      %dma_start3A_342 = arith.constant 0 : i32
      %dma_start3A_343 = tpu.memref_slice %arg8[%dma_start3A_338, %dma_start3A_342] : memref<32x128xi32, #tpu.memory_space<vmem>> -> memref<1x56xi32, #tpu.memory_space<vmem>>
      %dma_start3A_344 = tpu.memref_squeeze %dma_start3A_343 : memref<1x56xi32, #tpu.memory_space<vmem>> -> memref<56xi32, #tpu.memory_space<vmem>>
      %dma_start3A_345 = arith.constant 0 : i32
      %dma_start3A_346 = arith.constant 0 : i32
      %dma_start3A_347 = tpu.memref_slice %arg5[%dma_start3A_345, %dma_start3A_346] : memref<100000x128xf32, #tpu.memory_space<hbm>> -> memref<100000x128xf32, #tpu.memory_space<hbm>>
      tpu.enqueue_indirect_dma source(%dma_start3A_347 : memref<100000x128xf32, #tpu.memory_space<hbm>>) target(%dma_start3A_341 : memref<56x128xf32, #tpu.memory_space<vmem>>) offsets(%dma_start3A_344 : memref<56xi32, #tpu.memory_space<vmem>>) semaphore(%run_scoped3A_16 : memref<!tpu.dma_semaphore, #tpu.memory_space<semaphore_mem>>)
      %add3A_348 = arith.constant 31 : i32
      %add3A_349 = arith.addi %mul3A_2, %add3A_348 : i32
      %mul3A_350 = arith.constant 50 : i32
      %mul3A_351 = arith.muli %add3A_349, %mul3A_350 : i32
      %dma_start3A_352 = arith.constant 0 : i32
      %dma_start3A_353 = arith.constant 0 : i32
      %dma_start3A_354 = tpu.memref_slice %arg10[%dma_start3A_352, %dma_start3A_353] : memref<112x128xf32, #tpu.memory_space<vmem>> -> memref<50x128xf32, #tpu.memory_space<vmem>>
      %dma_start3A_355 = arith.constant 0 : i32
      %dma_start3A_356 = tpu.memref_slice %arg2[%mul3A_351, %dma_start3A_355] : memref<51200x128xf32, #tpu.memory_space<hbm>> -> memref<50x128xf32, #tpu.memory_space<hbm>>
      %dma_start3A_357 = arith.constant 0 : i32
      %dma_start3A_358 = arith.constant 0 : i32
      %dma_start3A_359 = tpu.memref_slice %arg10[%dma_start3A_357, %dma_start3A_358] : memref<112x128xf32, #tpu.memory_space<vmem>> -> memref<50x128xf32, #tpu.memory_space<vmem>>
      %dma_start3A_360 = arith.constant 0 : i32
      %dma_start3A_361 = tpu.memref_slice %arg2[%mul3A_351, %dma_start3A_360] : memref<51200x128xf32, #tpu.memory_space<hbm>> -> memref<50x128xf32, #tpu.memory_space<hbm>>
      tpu.enqueue_dma source(%dma_start3A_361 : memref<50x128xf32, #tpu.memory_space<hbm>>) target(%dma_start3A_359 : memref<50x128xf32, #tpu.memory_space<vmem>>) target_semaphore(%run_scoped3A_16 : memref<!tpu.dma_semaphore, #tpu.memory_space<semaphore_mem>>)
      %dma_wait3A_362 = arith.constant 31 : i32
      %dma_wait3A_363 = arith.constant 50 : i32
      %dma_wait3A_364 = arith.constant 0 : i32
      %dma_wait3A_365 = tpu.memref_slice %arg10[%dma_wait3A_363, %dma_wait3A_364] : memref<112x128xf32, #tpu.memory_space<vmem>> -> memref<56x128xf32, #tpu.memory_space<vmem>>
      %dma_wait3A_366 = arith.constant 0 : i32
      %dma_wait3A_367 = tpu.memref_slice %arg8[%dma_wait3A_362, %dma_wait3A_366] : memref<32x128xi32, #tpu.memory_space<vmem>> -> memref<1x56xi32, #tpu.memory_space<vmem>>
      %dma_wait3A_368 = tpu.memref_squeeze %dma_wait3A_367 : memref<1x56xi32, #tpu.memory_space<vmem>> -> memref<56xi32, #tpu.memory_space<vmem>>
      %dma_wait3A_369 = arith.constant 0 : i32
      %dma_wait3A_370 = arith.constant 0 : i32
      %dma_wait3A_371 = tpu.memref_slice %arg4[%dma_wait3A_369, %dma_wait3A_370] : memref<100000x128xf32, #tpu.memory_space<hbm>> -> memref<100000x128xf32, #tpu.memory_space<hbm>>
      tpu.wait_indirect_dma semaphore(%run_scoped3A_16 : memref<!tpu.dma_semaphore, #tpu.memory_space<semaphore_mem>>) src(%dma_wait3A_371 : memref<100000x128xf32, #tpu.memory_space<hbm>>) dst(%dma_wait3A_365 : memref<56x128xf32, #tpu.memory_space<vmem>>)
      %dma_wait3A_372 = arith.constant 31 : i32
      %dma_wait3A_373 = arith.constant 50 : i32
      %dma_wait3A_374 = arith.constant 0 : i32
      %dma_wait3A_375 = tpu.memref_slice %arg12[%dma_wait3A_373, %dma_wait3A_374] : memref<112x128xf32, #tpu.memory_space<vmem>> -> memref<56x128xf32, #tpu.memory_space<vmem>>
      %dma_wait3A_376 = arith.constant 0 : i32
      %dma_wait3A_377 = tpu.memref_slice %arg8[%dma_wait3A_372, %dma_wait3A_376] : memref<32x128xi32, #tpu.memory_space<vmem>> -> memref<1x56xi32, #tpu.memory_space<vmem>>
      %dma_wait3A_378 = tpu.memref_squeeze %dma_wait3A_377 : memref<1x56xi32, #tpu.memory_space<vmem>> -> memref<56xi32, #tpu.memory_space<vmem>>
      %dma_wait3A_379 = arith.constant 0 : i32
      %dma_wait3A_380 = arith.constant 0 : i32
      %dma_wait3A_381 = tpu.memref_slice %arg5[%dma_wait3A_379, %dma_wait3A_380] : memref<100000x128xf32, #tpu.memory_space<hbm>> -> memref<100000x128xf32, #tpu.memory_space<hbm>>
      tpu.wait_indirect_dma semaphore(%run_scoped3A_16 : memref<!tpu.dma_semaphore, #tpu.memory_space<semaphore_mem>>) src(%dma_wait3A_381 : memref<100000x128xf32, #tpu.memory_space<hbm>>) dst(%dma_wait3A_375 : memref<56x128xf32, #tpu.memory_space<vmem>>)
      %add3A_382 = arith.constant 31 : i32
      %add3A_383 = arith.addi %mul3A_2, %add3A_382 : i32
      %mul3A_384 = arith.constant 50 : i32
      %mul3A_385 = arith.muli %add3A_383, %mul3A_384 : i32
      %dma_wait3A_386 = arith.constant 0 : i32
      %dma_wait3A_387 = arith.constant 0 : i32
      %dma_wait3A_388 = tpu.memref_slice %arg10[%dma_wait3A_386, %dma_wait3A_387] : memref<112x128xf32, #tpu.memory_space<vmem>> -> memref<50x128xf32, #tpu.memory_space<vmem>>
      %dma_wait3A_389 = arith.constant 0 : i32
      %dma_wait3A_390 = tpu.memref_slice %arg2[%mul3A_385, %dma_wait3A_389] : memref<51200x128xf32, #tpu.memory_space<hbm>> -> memref<50x128xf32, #tpu.memory_space<hbm>>
      %dma_wait3A_391 = arith.constant 0 : i32
      %dma_wait3A_392 = arith.constant 0 : i32
      %dma_wait3A_393 = tpu.memref_slice %arg10[%dma_wait3A_391, %dma_wait3A_392] : memref<112x128xf32, #tpu.memory_space<vmem>> -> memref<50x128xf32, #tpu.memory_space<vmem>>
      %dma_wait3A_394 = arith.constant 0 : i32
      %dma_wait3A_395 = tpu.memref_slice %arg2[%mul3A_385, %dma_wait3A_394] : memref<51200x128xf32, #tpu.memory_space<hbm>> -> memref<50x128xf32, #tpu.memory_space<hbm>>
      tpu.wait_dma2 semaphore(%run_scoped3A_16 : memref<!tpu.dma_semaphore, #tpu.memory_space<semaphore_mem>>) src(%dma_wait3A_395 : memref<50x128xf32, #tpu.memory_space<hbm>>) dst(%dma_wait3A_393 : memref<50x128xf32, #tpu.memory_space<vmem>>)
      %dma_start3A_396 = arith.constant 31 : i32
      %dma_start3A_397 = arith.constant 0 : i32
      %dma_start3A_398 = arith.constant 0 : i32
      %dma_start3A_399 = tpu.memref_slice %arg10[%dma_start3A_397, %dma_start3A_398] : memref<112x128xf32, #tpu.memory_space<vmem>> -> memref<99x128xf32, #tpu.memory_space<vmem>>
      %dma_start3A_400 = arith.constant 0 : i32
      %dma_start3A_401 = tpu.memref_slice %arg13[%dma_start3A_396, %dma_start3A_400] : memref<32x99xi32, #tpu.memory_space<vmem>> -> memref<1x99xi32, #tpu.memory_space<vmem>>
      %dma_start3A_402 = tpu.memref_squeeze %dma_start3A_401 : memref<1x99xi32, #tpu.memory_space<vmem>> -> memref<99xi32, #tpu.memory_space<vmem>>
      %dma_start3A_403 = arith.constant 0 : i32
      %dma_start3A_404 = arith.constant 0 : i32
      %dma_start3A_405 = tpu.memref_slice %arg6[%dma_start3A_403, %dma_start3A_404] : memref<101376x128xf32, #tpu.memory_space<hbm>> -> memref<101376x128xf32, #tpu.memory_space<hbm>>
      tpu.enqueue_indirect_dma source(%dma_start3A_399 : memref<99x128xf32, #tpu.memory_space<vmem>>) target(%dma_start3A_405 : memref<101376x128xf32, #tpu.memory_space<hbm>>) offsets(%dma_start3A_402 : memref<99xi32, #tpu.memory_space<vmem>>) semaphore(%run_scoped3A_18 : memref<!tpu.dma_semaphore, #tpu.memory_space<semaphore_mem>>)
      %dma_start3A_406 = arith.constant 31 : i32
      %dma_start3A_407 = arith.constant 0 : i32
      %dma_start3A_408 = arith.constant 0 : i32
      %dma_start3A_409 = tpu.memref_slice %arg12[%dma_start3A_407, %dma_start3A_408] : memref<112x128xf32, #tpu.memory_space<vmem>> -> memref<99x128xf32, #tpu.memory_space<vmem>>
      %dma_start3A_410 = arith.constant 0 : i32
      %dma_start3A_411 = tpu.memref_slice %arg13[%dma_start3A_406, %dma_start3A_410] : memref<32x99xi32, #tpu.memory_space<vmem>> -> memref<1x99xi32, #tpu.memory_space<vmem>>
      %dma_start3A_412 = tpu.memref_squeeze %dma_start3A_411 : memref<1x99xi32, #tpu.memory_space<vmem>> -> memref<99xi32, #tpu.memory_space<vmem>>
      %dma_start3A_413 = arith.constant 0 : i32
      %dma_start3A_414 = arith.constant 0 : i32
      %dma_start3A_415 = tpu.memref_slice %arg7[%dma_start3A_413, %dma_start3A_414] : memref<101376x128xf32, #tpu.memory_space<hbm>> -> memref<101376x128xf32, #tpu.memory_space<hbm>>
      tpu.enqueue_indirect_dma source(%dma_start3A_409 : memref<99x128xf32, #tpu.memory_space<vmem>>) target(%dma_start3A_415 : memref<101376x128xf32, #tpu.memory_space<hbm>>) offsets(%dma_start3A_412 : memref<99xi32, #tpu.memory_space<vmem>>) semaphore(%run_scoped3A_18 : memref<!tpu.dma_semaphore, #tpu.memory_space<semaphore_mem>>)
      %dma_wait3A_416 = arith.constant 30 : i32
      %dma_wait3A_417 = arith.constant 0 : i32
      %dma_wait3A_418 = arith.constant 0 : i32
      %dma_wait3A_419 = tpu.memref_slice %arg9[%dma_wait3A_417, %dma_wait3A_418] : memref<112x128xf32, #tpu.memory_space<vmem>> -> memref<99x128xf32, #tpu.memory_space<vmem>>
      %dma_wait3A_420 = arith.constant 0 : i32
      %dma_wait3A_421 = tpu.memref_slice %arg13[%dma_wait3A_416, %dma_wait3A_420] : memref<32x99xi32, #tpu.memory_space<vmem>> -> memref<1x99xi32, #tpu.memory_space<vmem>>
      %dma_wait3A_422 = tpu.memref_squeeze %dma_wait3A_421 : memref<1x99xi32, #tpu.memory_space<vmem>> -> memref<99xi32, #tpu.memory_space<vmem>>
      %dma_wait3A_423 = arith.constant 0 : i32
      %dma_wait3A_424 = arith.constant 0 : i32
      %dma_wait3A_425 = tpu.memref_slice %arg6[%dma_wait3A_423, %dma_wait3A_424] : memref<101376x128xf32, #tpu.memory_space<hbm>> -> memref<101376x128xf32, #tpu.memory_space<hbm>>
      tpu.wait_indirect_dma semaphore(%run_scoped3A_17 : memref<!tpu.dma_semaphore, #tpu.memory_space<semaphore_mem>>) src(%dma_wait3A_419 : memref<99x128xf32, #tpu.memory_space<vmem>>) dst(%dma_wait3A_425 : memref<101376x128xf32, #tpu.memory_space<hbm>>)
      %dma_wait3A_426 = arith.constant 30 : i32
      %dma_wait3A_427 = arith.constant 0 : i32
      %dma_wait3A_428 = arith.constant 0 : i32
      %dma_wait3A_429 = tpu.memref_slice %arg11[%dma_wait3A_427, %dma_wait3A_428] : memref<112x128xf32, #tpu.memory_space<vmem>> -> memref<99x128xf32, #tpu.memory_space<vmem>>
      %dma_wait3A_430 = arith.constant 0 : i32
      %dma_wait3A_431 = tpu.memref_slice %arg13[%dma_wait3A_426, %dma_wait3A_430] : memref<32x99xi32, #tpu.memory_space<vmem>> -> memref<1x99xi32, #tpu.memory_space<vmem>>
      %dma_wait3A_432 = tpu.memref_squeeze %dma_wait3A_431 : memref<1x99xi32, #tpu.memory_space<vmem>> -> memref<99xi32, #tpu.memory_space<vmem>>
      %dma_wait3A_433 = arith.constant 0 : i32
      %dma_wait3A_434 = arith.constant 0 : i32
      %dma_wait3A_435 = tpu.memref_slice %arg7[%dma_wait3A_433, %dma_wait3A_434] : memref<101376x128xf32, #tpu.memory_space<hbm>> -> memref<101376x128xf32, #tpu.memory_space<hbm>>
      tpu.wait_indirect_dma semaphore(%run_scoped3A_17 : memref<!tpu.dma_semaphore, #tpu.memory_space<semaphore_mem>>) src(%dma_wait3A_429 : memref<99x128xf32, #tpu.memory_space<vmem>>) dst(%dma_wait3A_435 : memref<101376x128xf32, #tpu.memory_space<hbm>>)
      %dma_wait3A_436 = arith.constant 31 : i32
      %dma_wait3A_437 = arith.constant 0 : i32
      %dma_wait3A_438 = arith.constant 0 : i32
      %dma_wait3A_439 = tpu.memref_slice %arg10[%dma_wait3A_437, %dma_wait3A_438] : memref<112x128xf32, #tpu.memory_space<vmem>> -> memref<99x128xf32, #tpu.memory_space<vmem>>
      %dma_wait3A_440 = arith.constant 0 : i32
      %dma_wait3A_441 = tpu.memref_slice %arg13[%dma_wait3A_436, %dma_wait3A_440] : memref<32x99xi32, #tpu.memory_space<vmem>> -> memref<1x99xi32, #tpu.memory_space<vmem>>
      %dma_wait3A_442 = tpu.memref_squeeze %dma_wait3A_441 : memref<1x99xi32, #tpu.memory_space<vmem>> -> memref<99xi32, #tpu.memory_space<vmem>>
      %dma_wait3A_443 = arith.constant 0 : i32
      %dma_wait3A_444 = arith.constant 0 : i32
      %dma_wait3A_445 = tpu.memref_slice %arg6[%dma_wait3A_443, %dma_wait3A_444] : memref<101376x128xf32, #tpu.memory_space<hbm>> -> memref<101376x128xf32, #tpu.memory_space<hbm>>
      tpu.wait_indirect_dma semaphore(%run_scoped3A_18 : memref<!tpu.dma_semaphore, #tpu.memory_space<semaphore_mem>>) src(%dma_wait3A_439 : memref<99x128xf32, #tpu.memory_space<vmem>>) dst(%dma_wait3A_445 : memref<101376x128xf32, #tpu.memory_space<hbm>>)
      %dma_wait3A_446 = arith.constant 31 : i32
      %dma_wait3A_447 = arith.constant 0 : i32
      %dma_wait3A_448 = arith.constant 0 : i32
      %dma_wait3A_449 = tpu.memref_slice %arg12[%dma_wait3A_447, %dma_wait3A_448] : memref<112x128xf32, #tpu.memory_space<vmem>> -> memref<99x128xf32, #tpu.memory_space<vmem>>
      %dma_wait3A_450 = arith.constant 0 : i32
      %dma_wait3A_451 = tpu.memref_slice %arg13[%dma_wait3A_446, %dma_wait3A_450] : memref<32x99xi32, #tpu.memory_space<vmem>> -> memref<1x99xi32, #tpu.memory_space<vmem>>
      %dma_wait3A_452 = tpu.memref_squeeze %dma_wait3A_451 : memref<1x99xi32, #tpu.memory_space<vmem>> -> memref<99xi32, #tpu.memory_space<vmem>>
      %dma_wait3A_453 = arith.constant 0 : i32
      %dma_wait3A_454 = arith.constant 0 : i32
      %dma_wait3A_455 = tpu.memref_slice %arg7[%dma_wait3A_453, %dma_wait3A_454] : memref<101376x128xf32, #tpu.memory_space<hbm>> -> memref<101376x128xf32, #tpu.memory_space<hbm>>
      tpu.wait_indirect_dma semaphore(%run_scoped3A_18 : memref<!tpu.dma_semaphore, #tpu.memory_space<semaphore_mem>>) src(%dma_wait3A_449 : memref<99x128xf32, #tpu.memory_space<vmem>>) dst(%dma_wait3A_455 : memref<101376x128xf32, #tpu.memory_space<hbm>>)
      tpu.yield
    }) : () -> ()
    return
  }
}

</mosaic_0001>

<sc_bundles>
// kernel: kernel.3.cloned.1.call-start
scs
__scs_entry_jumppad:
0x0: {  	(pc) =	sbr.rel $0x88, $3  }
0x1: {  	(tag) =	ssettag $0x0;
	lr =	simm.s32 $0x1  }
0x2: {  	[smem:$0x3F9E] =	sst lr;
	_ =	strace $0xD0000000  }
0x3: {  	_ = 	snop  }
0x4: {  	_ = 	snop  }
0x5: {  	_ = 	snop  }
0x6: {  	_ = 	snop  }
0x7: {  	_ = 	snop  }
__scs_overlays_trampoline_lowered:
0x8: {  	[smem:$0x3FAD] =	sst s0  }
0x9: {  	[smem:$0x3FAE] =	sst s1  }
0xa: {  	[smem:$0x3FAF] =	sst s2  }
0xb: {  	[smem:$0x3FB0] =	sst s3  }
0xc: {  	[smem:$0x3FB1] =	sst s4  }
0xd: {  	[smem:$0x3FB2] =	sst s5  }
0xe: {  	[smem:$0x3FB3] =	sst s6  }
0xf: {  	[smem:$0x3FB4] =	sst s7  }
0x10: {  	[smem:$0x3FB5] =	sst s8  }
0x11: {  	[smem:$0x3FB6] =	sst s9;
	s0 =	simm.s32 @!p0 $0x0  }
0x12: {  	s1 =	sld [smem:$0x3F9C];
	s0 =	simm.s32 @p0 $0x1  }
0x13: {  	[smem:$0x3FB7] =	sst s0;
	s0 =	simm.s32 @!p1 $0x0  }
0x14: {  	s2 =	sld [smem:$0x3F9B];
	s0 =	simm.s32 @p1 $0x1  }
0x15: {  	[smem:$0x3FB8] =	sst s0;
	s0 =	simm.s32 @!p2 $0x0  }
0x16: {  	s3 =	sld [smem:$0x3FDB];
	s0 =	simm.s32 @p2 $0x1  }
0x17: {  	s4 =	simm.s32 $0x1BF5;
	[smem:$0x3FBA] =	sst s0  }
0x18: {  	s0 =	sld [smem:$0x3F9D];
	_ =	swait.ge [sflag:s4], $0x0  }
0x19: {  	s7 =	sld [smem:$0x3F9E]  }
0x1a: {  	s8 =	sadd.s32 $0xFFFFE003, lr  }
0x1b: {  	s9 =	sadd.s32 $0xFFFFFEF7, lr;
	s5 =	simm.s32 $0xFFFFFFFF;
	p2 =	slt.u32 s8, $0xFFFFF086  }
0x1c: {  	p1 =	slt.u32 s9, $0xF7A;
	s5 =	simm.s32 @!p2 $0x0  }
0x1d: {  	s5 =	simm.s32 @p1 $0x1;
	p0 =	seq.s32 s7, s2  }
0x1e: {  	s7 =	smul.u32 @!p0 $0xF7A, s2;
	p2 =	seq.s32 @!p0 s5, $0x0  }
0x1f: {  	s9 =	smul.u32 $0xF7A, s1;
	s8 =	simm.s32 @!p0 $0x1BF5;
	p2 =	por !p2, p0  }
0x20: {  	[sflag:s8] =	ssyncset.s32 @!p0 $0xFFFFF086;
	s6 =	sadd.s32 @!p0 s3, s7;
	s7 =	simm.s32 @!p0 $0x108  }
0x21: {  	s3 =	sadd.s32 s3, s9;
	s6 =	sadd.s32 @!p0 $0x88, s6;
	s7 =	simm.s32 @p2 $0x1082  }
0x22: {  	[simem:s7], [sflag:s8] =	dma.local @!p0 [hbm:s6], $0xF7A  }
0x23: {  	s9 =	sor.u32 $0xD0000000, s2;
	s6 =	simm.s32 $0x108;
	_ =	swait.ge @!p0 [sflag:s8], $0x0  }
0x24: {  	s3 =	sadd.s32 $0x88, s3;
	s6 =	simm.s32 @!p1 $0x1082;
	[sflag:s4] =	ssyncset.s32 $0xFFFFF086  }
0x25: {  	[simem:s6], [sflag:s4] =	dma.local [hbm:s3], $0xF7A  }
0x26: {  	[smem:$0x3F9E] =	sst s1;
	(tag) =	ssettag s2;
	_ =	strace s9  }
0x27: {  	s1 =	sld [smem:$0x3FAE]  }
0x28: {  	s2 =	sld [smem:$0x3FAF]  }
0x29: {  	s4 =	sld [smem:$0x3FB1]  }
0x2a: {  	p0 =	seq.s32 s5, $0x0;
	s5 =	sld [smem:$0x3FB2]  }
0x2b: {  	s6 =	sld [smem:$0x3FB3]  }
0x2c: {  	s7 =	sld [smem:$0x3FB4]  }
0x2d: {  	s3 =	simm.s32 $0x108;
	s8 =	sld [smem:$0x3FB5]  }
0x2e: {  	s3 =	simm.s32 @!p0 $0x1082;
	s9 =	sld [smem:$0x3FB6]  }
0x2f: {  	lr =	sadd.s32 s0, s3;
	s0 =	sld [smem:$0x3FAD]  }
0x30: {  	s3 =	sld [smem:$0x3FB0]  }
0x31: {  	[smem:$0x3FB9] =	sst s10  }
0x32: {  	s10 =	sld [smem:$0x3FB7];
	_ =	sdelay $0x3  }
0x33: {  	p0 =	seq.s32 s10, $0x1;
	s10 =	sld [smem:$0x3FB9];
	_ =	sdelay $0x3  }
0x34: {  	[smem:$0x3FB9] =	sst s10  }
0x35: {  	s10 =	sld [smem:$0x3FB8];
	_ =	sdelay $0x3  }
0x36: {  	p1 =	seq.s32 s10, $0x1;
	s10 =	sld [smem:$0x3FB9];
	_ =	sdelay $0x3  }
0x37: {  	[smem:$0x3FB9] =	sst s10  }
0x38: {  	s10 =	sld [smem:$0x3FBA]  }
0x39: {  	_ = 	snop;
	(pc) =	sbr.ind lr, $3  }
0x3a: {  	_ = 	snop  }
0x3b: {  	_ = 	snop  }
0x3c: {  	p2 =	seq.s32 s10, $0x1;
	s10 =	sld [smem:$0x3FB9]  }
0x3d: {  	_ =	shalt  }
0x3e: {  	_ =	shalt  }
0x3f: {  	_ =	shalt  }
0x40: {  	_ =	shalt  }
0x41: {  	_ =	shalt  }
0x42: {  	_ =	shalt  }
0x43: {  	_ =	shalt  }
0x44: {  	_ =	shalt  }
0x45: {  	_ =	shalt  }
0x46: {  	_ =	shalt  }
0x47: {  	_ =	shalt  }
0x48: {  	_ =	shalt  }
0x49: {  	_ =	shalt  }
0x4a: {  	_ =	shalt  }
0x4b: {  	_ =	shalt  }
0x4c: {  	_ =	shalt  }
0x4d: {  	_ =	shalt  }
0x4e: {  	_ =	shalt  }
0x4f: {  	_ =	shalt  }
0x50: {  	_ =	shalt  }
0x51: {  	_ =	shalt  }
0x52: {  	_ =	shalt  }
0x53: {  	_ =	shalt  }
0x54: {  	_ =	shalt  }
0x55: {  	_ =	shalt  }
0x56: {  	_ =	shalt  }
0x57: {  	_ =	shalt  }
0x58: {  	_ =	shalt  }
0x59: {  	_ =	shalt  }
0x5a: {  	_ =	shalt  }
0x5b: {  	_ =	shalt  }
0x5c: {  	_ =	shalt  }
0x5d: {  	_ =	shalt  }
0x5e: {  	_ =	shalt  }
0x5f: {  	_ =	shalt  }
0x60: {  	_ =	shalt  }
0x61: {  	_ =	shalt  }
0x62: {  	_ =	shalt  }
0x63: {  	_ =	shalt  }
0x64: {  	_ =	shalt  }
0x65: {  	_ =	shalt  }
0x66: {  	_ =	shalt  }
0x67: {  	_ =	shalt  }
0x68: {  	_ =	shalt  }
0x69: {  	_ =	shalt  }
0x6a: {  	_ =	shalt  }
0x6b: {  	_ =	shalt  }
0x6c: {  	_ =	shalt  }
0x6d: {  	_ =	shalt  }
0x6e: {  	_ =	shalt  }
0x6f: {  	_ =	shalt  }
0x70: {  	_ =	shalt  }
0x71: {  	_ =	shalt  }
0x72: {  	_ =	shalt  }
0x73: {  	_ =	shalt  }
0x74: {  	_ =	shalt  }
0x75: {  	_ =	shalt  }
0x76: {  	_ =	shalt  }
0x77: {  	_ =	shalt  }
0x78: {  	_ =	shalt  }
0x79: {  	_ =	shalt  }
0x7a: {  	_ =	shalt  }
0x7b: {  	_ =	shalt  }
0x7c: {  	_ =	shalt  }
0x7d: {  	_ =	shalt  }
0x7e: {  	_ =	shalt  }
0x7f: {  	_ =	shalt  }
0x80: {  	_ =	shalt  }
0x81: {  	_ =	shalt  }
0x82: {  	_ =	shalt  }
0x83: {  	_ =	shalt  }
0x84: {  	_ =	shalt  }
0x85: {  	_ =	shalt  }
0x86: {  	_ =	shalt  }
0x87: {  	_ =	shalt  }
.Lfunc_end0:
.L_simem_size_0:
called_computation.1_lowered:
.L_overlay_start_0:
0x88: {  	s2 =	sld [smem:$0x3FD9]  }
0x89: {  	s3 =	sld [smem:$0x3FFE];
	_ =	sdelay $0x1  }
0x8a: {  	s1 =	srdreg.scid  }
0x8b: {  	s0 =	sand.u32 $0x1, s1  }
0x8c: {  	s17 =	sshll.u32 s0, $0xA;
	s2 =	sadd.s32 s3, s2  }
0x8d: {  	s2 =	sadd.s32 s2, s17  }
0x8e: {  	[smem:$0x3FC5] =	sst s2  }
0x8f: {  	_ = 	snop  }
0x90: {  	s2 =	sld [smem:$0x3FD0];
	(tm) =	ssettm $0x1  }
0x91: {  	s18 =	sld [smem:$0x3FFB];
	_ =	sdelay $0x3  }
0x92: {  	_ =	strace s18  }
0x93: {  	s3 =	sld [smem:$0x3FFC];
	_ =	sdelay $0x3  }
0x94: {  	_ =	strace s3  }
0x95: {  	s3 =	sld [smem:$0x3FFD];
	_ =	sdelay $0x3  }
0x96: {  	_ =	strace s3  }
0x97: {  	_ =	strace $0x8FFFFFFF  }
0x98: {  	s19 =	sld [smem:$0x3FDB];
	_ =	sdelay $0x1  }
0x99: {  	s4 =	simm.s32 $_scs_section_size  }
0x9a: {  	s5 =	simm.s32 $_size__tile_overlayer_lowered;
	s6 =	simm.s32 $_tile_overlayer_lowered  }
0x9b: {  	s22 =	simm.s32 $0x1BFF;
	s21 =	sshll.u32 s6, $0x1;
	s3 =	sadd.s32 s4, s19  }
0x9c: {  	s7 =	simm.s32 $0x0;
	s20 =	sshll.u32 s5, $0x1;
	s5 =	sadd.s32 s21, s3  }
0x9d: {  	[timem:s7], [sflag:s22] =	dma.local [hbm:s5], s20  }
0x9e: {  	_ =	swait.ge [sflag:s22], s20  }
0x9f: {  	s4 =	ssub.s32 $0x0, s20;
	[sflag:s22] =	ssyncset.done $0x0  }
0xa0: {  	[sflag:s22] =	ssyncadd.s32 s4;
	_ =	sdelay $0x1  }
0xa1: {  	s23 =	simm.s32 $0x1B8B  }
0xa2: {  	_ =	swait.ge [sflag:s23], $0x1  }
0xa3: {  	[sflag:s23] =	ssyncset.done $0x0  }
0xa4: {  	s25 =	simm.s32 $0x1B8E;
	s24 =	sld [smem:$0x3FFE];
	[sflag:s23] =	ssyncadd.s32 $0xFFFFFFFF  }
0xa5: {  	s26 =	simm.s32 $execute0_lowered;
	[smem:$0x3FD2] =	sst s25  }
0xa6: {  	s5 =	sshll.u32 s26, $0x1;
	_ =	strace $0x80000046;
	[dreg:$0x1] =	wrdreg $0xFFFFFFFF  }
0xa7: {  	s28 =	simm.s32 $_size_execute0_lowered;
	s3 =	sadd.s32 s3, s5;
	[dreg:$0x0] =	wrdreg $0x0  }
0xa8: {  	s5 =	sshll.u32 s28, $0x1;
	[dreg:$0x2] =	wrdreg s3  }
0xa9: {  	[dreg:$0x3] =	wrdreg s5  }
0xaa: {  	[dreg:$0x4] =	wrdreg $0xC0  }
0xab: {  	_ =	task [dreg:s7], $0x5FFFF  }
0xac: {  	[dreg:$0x1] =	wrdreg $0xFFFFFFFF  }
0xad: {  	[dreg:$0x0] =	wrdreg $0x60  }
0xae: {  	[dreg:$0x2] =	wrdreg s24  }
0xaf: {  	[dreg:$0x3] =	wrdreg s2  }
0xb0: {  	[dreg:$0x4] =	wrdreg $0x9  }
0xb1: {  	_ =	task.clear_ibuf [dreg:s7], $0x5FFFF;
	_ =	strace $0x90000046  }
0xb2: {  	s29 =	simm.s32 $0x9;
	_ =	strace $0x80000048  }
0xb3: {  	_ =	swait.ge [sflag:s29], $0x1  }
0xb4: {  	[sflag:s29] =	ssyncadd.s32 $0xFFFFFFFF  }
0xb5: {  	_ =	strace $0x90000048  }
0xb6: {  	_ =	sfence  }
0xb7: {  	s30 =	sld [smem:$0x0];
	_ =	sdelay $0x2  }
0xb8: {  	s31 =	sshll.u32 s1, $0xD;
	s1 =	sshrl.u32 s1, $0x2  }
0xb9: {  	s3 =	sand.u32 $0x4000, s31;
	s1 =	sadd.s32 s1, s30  }
0xba: {  	s0 =	sor.u32 s3, s0;
	s1 =	sshll.u32 s1, $0x11  }
0xbb: {  	s0 =	sor.u32 s1, s0  }
0xbc: {  	s0 =	sadd.s32 $0x8F2B, s0  }
0xbd: {  	[sflag:s0] =	ssyncadd.remote.s32 $0x1  }
0xbe: {  	_ =	sfence.sel $0xFFFF  }
0xbf: {  	[dreg:$0x0] =	wrdreg $0xFFFFFFFF;
	(pc) =	sbr.abs _section_cstart, $3  }
0xc0: {  	[dreg:$0x1] =	wrdreg $0xFFFFFFFF  }
0xc1: {  	_ =	task.clear_ibuf [dreg:s7], $0x2FFFF;
	_ =	strace $0x9FFFFFFF  }
0xc2: {  	(tm) =	ssettm $0x7FFFFFFF  }
0xc3: {  	_ =	shalt  }
tec
execute0_lowered:
.L_overlay_start_1:
0x0: {  	(tag) =	ssettag $0x1  }
0x1: {  	s0 =	rddreg [dreg:$0x0]  }
0x2: {  	s2 =	rddreg [dreg:$0x1]  }
0x3: {  	s1 =	srdreg.scid;
	s12 =	stileid.u32;
	s3 =	simm.s32 $0x0  }
0x4: {  	s15 =	simm.s32 $0x1;
	s16 =	simm.s32 $0x38;
	s17 =	simm.s32 $0x2900  }
0x5: {  	s18 =	simm.s32 $0x9900;
	s19 =	simm.s32 $0x1000;
	s20 =	simm.s32 $0x63  }
0x6: {  	s28 =	simm.s32 $0x2;
	s30 =	simm.s32 $0xB800;
	s31 =	simm.s32 $0x3  }
0x7: {  	s1 =	sand.u32 $0x1, s1;
	s4 =	sshll.u32 s12, $0x1;
	s23 =	smul.u32 $0x18C0, s12  }
0x8: {  	[smem:$0x7FF] =	sst s3;
	s5 =	sadd.s32 $0x566800, s0;
	s24 =	smul.u32 $0xC800, s12  }
0x9: {  	s8 =	sadd.s32 $0x4E00, s0;
	s6 =	sadd.s32 $0x3DA800, s0;
	s25 =	smul.u32 $0x6400, s1  }
0xa: {  	s7 =	sor.u32 s1, s4;
	s10 =	ssub.s32 $0x2, s1;
	s1 =	smul.u32 $0xC60, s1  }
0xb: {  	_ =	strace $0x80000047;
	s4 =	sshll.u32 s7, $0x9;
	s11 =	smul.u32 $0x6400, s7  }
0xc: {  	v4 =	vimm.s32 $0xB97500FD;
	s22 =	sshrl.u32 s10, $0x1;
	s7 =	smul.u32 $0x32000, s7;
	s9 =	sadd.s32 s4, s0  }
0xd: {  	v0 =	vlaneseq.u32;
	v6 =	vimm.s32 $0x3016260;
	vm0 =	vcmask $0xF00;
	s4 =	sadd.s32 $0x253E00, s0;
	s0 =	ssub.s32 s10, s22;
	s13 =	sadd.s32 s1, s23  }
0xe: {  	vm13 =	vcmask $0x2710;
	vm14 =	vcmask $0x3728;
	vm15 =	vcmask $0x3B38;
	s22 =	simm.s32 $0x8000;
	s1 =	simm.s32 $0x4;
	s9 =	sadd.s32 $0xE00, s9  }
0xf: {  	v1 =	vor.u32 $0x10, v0;
	v7 =	vunpack.c.l.s4.s8 v4;
	v8 =	vunpack.c.0.s8.s32 v6;
	s10 =	simm.s32 $0xFC98;
	s11 =	sadd.s32 s8, s11;
	[dreg:$0x3] =	wrdreg s9  }
0x10: {  	v2 =	vor.u32 $0x20, v0;
	v3 =	vor.u32 $0x30, v0;
	v4 =	vor.u32 $0x40, v0;
	s7 =	sshrl.u32 s7, $0x3;
	s0 =	smax.u32 s0, $0x1;
	[dreg:$0x4] =	wrdreg s11  }
0x11: {  	v9 =	vunpack.c.0.s8.s32 v7;
	v10 =	vnsel vm0, $0x1B, v8;
	v8 =	vimm.s32 $0x13111715;
	s11 =	sadd.s32 $0x320, s11;
	s7 =	sadd.s32 s8, s7;
	s8 =	sadd.s32 s24, s8  }
0x12: {  	v5 =	vor.u32 $0x50, v0;
	v11 =	vunpack.c.0.s8.s32 v8;
	v8 =	vmul.u32 $0x2, v0;
	[dreg:$0x8] =	wrdreg s0;
	s24 =	simm.s32 $0x6100;
	s0 =	simm.s32 $0x100  }
0x13: {  	v6 =	vor.u32 $0x60, v0;
	v7 =	vimm.f32 $0.0e+00;
	v9 =	vand.u32 $0xF, v9;
	s9 =	simm.s32 $0xF80;
	[dreg:$0x5] =	wrdreg s11;
	s26 =	sadd.s32 $0x640, s7  }
0x14: {  	v10 =	vsel vm13, v9, v10;
	v9 =	vor.u32 $0x70, v0;
	v13 =	vadd.s32 $0x1D, v8;
	s7 =	sadd.s32 $0x60E0, s7;
	s29 =	sadd.s32 s25, s8;
	[dreg:$0x6] =	wrdreg s26  }
0x15: {  	v14 =	vadd.s32 $0x3D, v8;
	v15 =	vadd.s32 $0x43, v8;
	s25 =	simm.s32 $0xD100;
	v12 =	vsel vm14, v11, v10;
	s11 =	simm.s32 $0x0;
	[dreg:$0x7] =	wrdreg s7  }
0x16: {  	v10 =	vor.u32 $0x20, v8;
	v11 =	vor.u32 $0x40, v8;
	s14 =	sadd.s32 $0x960, s29;
	s26 =	simm.s32 $0x4800;
	v12 =	vsel vm15, $0x19, v12;
	s7 =	simm.s32 $0xFC30  }
.LBB2_1:
0x17: {  	s8 =	rddreg [dreg:$0x3];
	s29 =	simm.s32 $0x4E  }
0x18: {  	[tilespmem:s3], [sflag:$0x1] =	stream.linear.gather [hbm4b:s8+s3], $0x1000, $0x38;
	[tilespmem:$0xFD00] =	vst v63  }
0x19: {  	v17 =	vmov s29;
	_ =	swait.ge [sflag:s15], $0x1000  }
0x1a: {  	vm0 =	veq.s32 v17, v0;
	[sflag:s15] =	ssyncset.done $0x0  }
0x1b: {  	s12 =	simm.s32 $0x8040;
	v16 =	vsel vm0, $0x3F800000, v7;
	[sflag:s15] =	ssyncadd.s32 $0xFFFFF000  }
0x1c: {  	s8 =	simm.s32 $0xB840;
	vm0 =	veq.s32 v17, v1;
	[tilespmem:s12+$0xFFFFFFC0] =	vst v16  }
0x1d: {  	[tilespmem:s8+$0xFFFFFFC0] =	vst v16;
	v16 =	vsel vm0, $0x3F800000, v7  }
0x1e: {  	vm0 =	veq.s32 v17, v2;
	[tilespmem:s12+$0xFFFFFFD0] =	vst v16  }
0x1f: {  	[tilespmem:s8+$0xFFFFFFD0] =	vst v16;
	v16 =	vsel vm0, $0x3F800000, v7  }
0x20: {  	vm0 =	veq.s32 v17, v3;
	[tilespmem:s12+$0xFFFFFFE0] =	vst v16  }
0x21: {  	[tilespmem:s8+$0xFFFFFFE0] =	vst v16;
	v16 =	vsel vm0, $0x3F800000, v7  }
0x22: {  	vm0 =	veq.s32 v17, v4;
	[tilespmem:s12+$0xFFFFFFF0] =	vst v16  }
0x23: {  	[tilespmem:s8+$0xFFFFFFF0] =	vst v16;
	v16 =	vsel vm0, $0x3F800000, v7  }
0x24: {  	vm0 =	veq.s32 v17, v5;
	[tilespmem:s12+$0x0] =	vst v16  }
0x25: {  	[tilespmem:s8+$0x0] =	vst v16;
	v16 =	vsel vm0, $0x3F800000, v7  }
0x26: {  	vm0 =	veq.s32 v17, v6;
	[tilespmem:s12+$0x10] =	vst v16  }
0x27: {  	[tilespmem:s8+$0x10] =	vst v16;
	v16 =	vsel vm0, $0x3F800000, v7  }
0x28: {  	s21 =	simm.s32 $0x4F;
	vm0 =	veq.s32 v17, v9;
	[tilespmem:s12+$0x20] =	vst v16  }
.LBB2_2:
0x29: {  	v17 =	vmov s21;
	p0 =	sne.s32 s21, $0x7F;
	[tilespmem:s8+$0x20] =	vst v16;
	v16 =	vsel vm0, $0x3F800000, v7  }
0x2a: {  	vm0 =	veq.s32 v17, v0;
	[tilespmem:s12+$0x30] =	vst v16  }
0x2b: {  	s12 =	sadd.s32 $0x80, s12;
	v18 =	vsel vm0, $0x3F800000, v7;
	[tilespmem:s8+$0x30] =	vst v16  }
0x2c: {  	vm0 =	veq.s32 v17, v1;
	s8 =	sadd.s32 $0x80, s8;
	[tilespmem:s12+$0xFFFFFFC0] =	vst v18  }
0x2d: {  	v16 =	vsel vm0, $0x3F800000, v7;
	[tilespmem:s8+$0xFFFFFFC0] =	vst v18  }
0x2e: {  	vm0 =	veq.s32 v17, v2;
	[tilespmem:s12+$0xFFFFFFD0] =	vst v16  }
0x2f: {  	[tilespmem:s8+$0xFFFFFFD0] =	vst v16;
	v16 =	vsel vm0, $0x3F800000, v7  }
0x30: {  	vm0 =	veq.s32 v17, v3;
	[tilespmem:s12+$0xFFFFFFE0] =	vst v16  }
0x31: {  	[tilespmem:s8+$0xFFFFFFE0] =	vst v16;
	v16 =	vsel vm0, $0x3F800000, v7  }
0x32: {  	vm0 =	veq.s32 v17, v4;
	[tilespmem:s12+$0xFFFFFFF0] =	vst v16  }
0x33: {  	[tilespmem:s8+$0xFFFFFFF0] =	vst v16;
	v16 =	vsel vm0, $0x3F800000, v7  }
.Ltmp0:
0x34: {  	vm0 =	veq.s32 v17, v5;
	[tilespmem:s12+$0x0] =	vst v16;
	(pc) =	sbr.rel @p0 .LBB2_2-.Ltmp0, $4  }
0x35: {  	[tilespmem:s8+$0x0] =	vst v16;
	v16 =	vsel vm0, $0x3F800000, v7  }
0x36: {  	vm0 =	veq.s32 v17, v6;
	[tilespmem:s12+$0x10] =	vst v16  }
0x37: {  	[tilespmem:s8+$0x10] =	vst v16;
	v16 =	vsel vm0, $0x3F800000, v7  }
0x38: {  	s21 =	sadd.s32 $0x1, s21;
	vm0 =	veq.s32 v17, v9;
	[tilespmem:s12+$0x20] =	vst v16  }
0x39: {  	[tilespmem:s8+$0x20] =	vst v16;
	v16 =	vsel vm0, $0x3F800000, v7  }
0x3a: {  	[tilespmem:s12+$0x30] =	vst v16;
	s12 =	sadd.s32 $0x0, s13  }
0x3b: {  	s21 =	simm.s32 $0x63;
	[tilespmem:s8+$0x30] =	vst v16;
	s8 =	simm.s32 $0xF030;
	v17 =	vadd.s32 s12, v8;
	v16 =	vadd.s32 s12, v10;
	v18 =	vadd.s32 s12, v14  }
.LBB2_4:
0x3c: {  	p0 =	sne.s32 s21, $0xBFD;
	v19 =	vadd.s32 s12, v11;
	v20 =	vadd.s32 s12, v12;
	[tilespmem:s8+$0x20] =	vst v18;
	v18 =	vadd.s32 s12, v15  }
0x3d: {  	v21 =	vadd.s32 s12, v13;
	[tilespmem:s8+$0x23] =	vst v18  }
.Ltmp1:
0x3e: {  	[tilespmem:s8+$0xFFFFFFD0] =	vst v17;
	(pc) =	sbr.rel @p0 .LBB2_4-.Ltmp1, $4  }
0x3f: {  	[tilespmem:s8+$0xFFFFFFE0] =	vst v16  }
0x40: {  	[tilespmem:s8+$0xFFFFFFF0] =	vst v19  }
0x41: {  	s12 =	sadd.s32 s21, s13;
	[tilespmem:s8+$0x0] =	vst v20  }
0x42: {  	s21 =	sadd.s32 $0x63, s21;
	v18 =	vadd.s32 s12, v14;
	v17 =	vadd.s32 s12, v8;
	v16 =	vadd.s32 s12, v10;
	[tilespmem:s8+$0x10] =	vst v21;
	s8 =	sadd.s32 $0x68, s8  }
0x43: {  	[tilespmem:s8+$0x20] =	vst v18  }
0x44: {  	[tilespmem:s8+$0xFFFFFFD0] =	vst v17  }
0x45: {  	v63 =	vadd.s32 s12, v15;
	[tilespmem:s8+$0xFFFFFFE0] =	vst v16  }
0x46: {  	v17 =	vadd.s32 s12, v11;
	[tilespmem:s8+$0x23] =	vst v63  }
0x47: {  	v16 =	vadd.s32 s12, v12;
	[tilespmem:s8+$0xFFFFFFF0] =	vst v17  }
0x48: {  	v17 =	vadd.s32 s12, v13;
	[tilespmem:s8+$0x0] =	vst v16  }
0x49: {  	[tilespmem:s8+$0x10] =	vst v17;
	s8 =	simm.s32 $0x0  }
0x4a: {  	[tilespmem:s17], [sflag:$0x1] =	stream.indirect.gather [hbm4b:s2+s16], $0x80, s8, s16, $0xb8;
	[tilespmem:$0xFD00] =	vst v63  }
0x4b: {  	_ = 	snop  }
0x4c: {  	[tilespmem:s18], [sflag:$0x1] =	stream.indirect.gather [hbm4b:s4+s16], $0x80, s8, s16, $0xb8;
	[tilespmem:$0xFD00] =	vst v63  }
0x4d: {  	s21 =	rddreg [dreg:$0x4]  }
0x4e: {  	[tilespmem:s19], [sflag:$0x1] =	stream.linear.gather [hbm4b:s21+s8], $0x1900, $0x38;
	[tilespmem:$0xFD00] =	vst v63  }
0x4f: {  	_ =	swait.ge [sflag:s15], $0x1C00  }
0x50: {  	[sflag:s15] =	ssyncset.done $0x0  }
0x51: {  	[sflag:s15] =	ssyncadd.s32 $0xFFFFE400  }
0x52: {  	_ =	swait.ge [sflag:s15], $0x1C00  }
0x53: {  	[sflag:s15] =	ssyncset.done $0x0  }
0x54: {  	[sflag:s15] =	ssyncadd.s32 $0xFFFFE400  }
0x55: {  	_ =	swait.ge [sflag:s15], $0x1900  }
0x56: {  	[sflag:s15] =	ssyncset.done $0x0  }
0x57: {  	s23 =	simm.s32 $0xF000;
	[sflag:s15] =	ssyncadd.s32 $0xFFFFE700  }
0x58: {  	[hbm4b:s5+s20] =	stream.indirect.scatter [tilespmem:s19], [sflag:$0x3], $0x80, s23, s20, $0xb8;
	[tilespmem:$0xFD00] =	vst v63  }
0x59: {  	_ = 	snop  }
0x5a: {  	[hbm4b:s6+s20] =	stream.indirect.scatter [tilespmem:s22], [sflag:$0x3], $0x80, s23, s20, $0xb8;
	[tilespmem:$0xFD00] =	vst v63  }
0x5b: {  	s29 =	simm.s32 $0x80  }
0x5c: {  	[tilespmem:s24], [sflag:$0x2] =	stream.indirect.gather [hbm4b:s2+s16], $0x80, s29, s16, $0xb8;
	[tilespmem:$0xFD00] =	vst v63  }
0x5d: {  	_ = 	snop  }
0x5e: {  	[tilespmem:s25], [sflag:$0x2] =	stream.indirect.gather [hbm4b:s4+s16], $0x80, s29, s16, $0xb8;
	[tilespmem:$0xFD00] =	vst v63  }
0x5f: {  	s21 =	rddreg [dreg:$0x5]  }
0x60: {  	[tilespmem:s26], [sflag:$0x2] =	stream.linear.gather [hbm4b:s21+s8], $0x1900, $0x38;
	[tilespmem:$0xFD00] =	vst v63  }
0x61: {  	_ =	swait.ge [sflag:s28], $0x1C00  }
0x62: {  	[sflag:s28] =	ssyncset.done $0x0  }
0x63: {  	[sflag:s28] =	ssyncadd.s32 $0xFFFFE400  }
0x64: {  	_ =	swait.ge [sflag:s28], $0x1C00  }
0x65: {  	[sflag:s28] =	ssyncset.done $0x0  }
0x66: {  	[sflag:s28] =	ssyncadd.s32 $0xFFFFE400  }
0x67: {  	_ =	swait.ge [sflag:s28], $0x1900  }
0x68: {  	[sflag:s28] =	ssyncset.done $0x0  }
0x69: {  	s23 =	simm.s32 $0xF068;
	[sflag:s28] =	ssyncadd.s32 $0xFFFFE700  }
0x6a: {  	[hbm4b:s5+s20] =	stream.indirect.scatter [tilespmem:s26], [sflag:$0x4], $0x80, s23, s20, $0xb8;
	[tilespmem:$0xFD00] =	vst v63  }
0x6b: {  	_ = 	snop  }
0x6c: {  	[hbm4b:s6+s20] =	stream.indirect.scatter [tilespmem:s30], [sflag:$0x4], $0x80, s23, s20, $0xb8;
	[tilespmem:$0xFD00] =	vst v63  }
0x6d: {  	_ =	swait.ge [sflag:s31], $0x3180  }
0x6e: {  	[sflag:s31] =	ssyncset.done $0x0  }
0x6f: {  	[sflag:s31] =	ssyncadd.s32 $0xFFFFCE80  }
0x70: {  	_ =	swait.ge [sflag:s31], $0x3180  }
0x71: {  	[sflag:s31] =	ssyncset.done $0x0  }
0x72: {  	[sflag:s31] =	ssyncadd.s32 $0xFFFFCE80  }
0x73: {  	[tilespmem:s17], [sflag:$0x1] =	stream.indirect.gather [hbm4b:s2+s16], $0x80, s0, s16, $0xb8;
	[tilespmem:$0xFD00] =	vst v63  }
0x74: {  	_ = 	snop  }
0x75: {  	[tilespmem:s18], [sflag:$0x1] =	stream.indirect.gather [hbm4b:s4+s16], $0x80, s0, s16, $0xb8;
	[tilespmem:$0xFD00] =	vst v63  }
0x76: {  	s29 =	rddreg [dreg:$0x6]  }
0x77: {  	[tilespmem:s19], [sflag:$0x1] =	stream.linear.gather [hbm4b:s29+s8], $0x1900, $0x38;
	[tilespmem:$0xFD00] =	vst v63  }
0x78: {  	_ =	swait.ge [sflag:s15], $0x1C00  }
0x79: {  	[sflag:s15] =	ssyncset.done $0x0  }
0x7a: {  	[sflag:s15] =	ssyncadd.s32 $0xFFFFE400  }
0x7b: {  	_ =	swait.ge [sflag:s15], $0x1C00  }
0x7c: {  	[sflag:s15] =	ssyncset.done $0x0  }
0x7d: {  	[sflag:s15] =	ssyncadd.s32 $0xFFFFE400  }
0x7e: {  	_ =	swait.ge [sflag:s15], $0x1900  }
0x7f: {  	[sflag:s15] =	ssyncset.done $0x0  }
0x80: {  	s12 =	simm.s32 $0xF0D0;
	[sflag:s15] =	ssyncadd.s32 $0xFFFFE700  }
0x81: {  	[hbm4b:s5+s20] =	stream.indirect.scatter [tilespmem:s19], [sflag:$0x3], $0x80, s12, s20, $0xb8;
	[tilespmem:$0xFD00] =	vst v63  }
0x82: {  	_ = 	snop  }
0x83: {  	[hbm4b:s6+s20] =	stream.indirect.scatter [tilespmem:s22], [sflag:$0x3], $0x80, s12, s20, $0xb8;
	[tilespmem:$0xFD00] =	vst v63  }
0x84: {  	_ =	swait.ge [sflag:s1], $0x3180  }
0x85: {  	[sflag:s1] =	ssyncset.done $0x0  }
0x86: {  	[sflag:s1] =	ssyncadd.s32 $0xFFFFCE80  }
0x87: {  	_ =	swait.ge [sflag:s1], $0x3180  }
0x88: {  	[sflag:s1] =	ssyncset.done $0x0  }
0x89: {  	s21 =	simm.s32 $0x180;
	[sflag:s1] =	ssyncadd.s32 $0xFFFFCE80  }
0x8a: {  	[tilespmem:s24], [sflag:$0x2] =	stream.indirect.gather [hbm4b:s2+s16], $0x80, s21, s16, $0xb8;
	[tilespmem:$0xFD00] =	vst v63  }
0x8b: {  	_ = 	snop  }
0x8c: {  	[tilespmem:s25], [sflag:$0x2] =	stream.indirect.gather [hbm4b:s4+s16], $0x80, s21, s16, $0xb8;
	[tilespmem:$0xFD00] =	vst v63  }
0x8d: {  	_ = 	snop  }
0x8e: {  	[tilespmem:s26], [sflag:$0x2] =	stream.linear.gather [hbm4b:s14+s3], $0x1900, $0x38;
	[tilespmem:$0xFD00] =	vst v63  }
0x8f: {  	_ =	swait.ge [sflag:s28], $0x1C00  }
0x90: {  	[sflag:s28] =	ssyncset.done $0x0  }
0x91: {  	[sflag:s28] =	ssyncadd.s32 $0xFFFFE400  }
0x92: {  	_ =	swait.ge [sflag:s28], $0x1C00  }
0x93: {  	[sflag:s28] =	ssyncset.done $0x0  }
0x94: {  	[sflag:s28] =	ssyncadd.s32 $0xFFFFE400  }
0x95: {  	_ =	swait.ge [sflag:s28], $0x1900  }
0x96: {  	[sflag:s28] =	ssyncset.done $0x0  }
0x97: {  	s23 =	simm.s32 $0xF138;
	[sflag:s28] =	ssyncadd.s32 $0xFFFFE700  }
0x98: {  	[hbm4b:s5+s20] =	stream.indirect.scatter [tilespmem:s26], [sflag:$0x4], $0x80, s23, s20, $0xb8;
	[tilespmem:$0xFD00] =	vst v63  }
0x99: {  	_ = 	snop  }
0x9a: {  	[hbm4b:s6+s20] =	stream.indirect.scatter [tilespmem:s30], [sflag:$0x4], $0x80, s23, s20, $0xb8;
	[tilespmem:$0xFD00] =	vst v63  }
0x9b: {  	_ =	swait.ge [sflag:s31], $0x3180  }
0x9c: {  	[sflag:s31] =	ssyncset.done $0x0  }
0x9d: {  	[sflag:s31] =	ssyncadd.s32 $0xFFFFCE80  }
0x9e: {  	_ =	swait.ge [sflag:s31], $0x3180  }
0x9f: {  	[sflag:s31] =	ssyncset.done $0x0  }
0xa0: {  	s29 =	simm.s32 $0x200;
	s8 =	simm.s32 $0x340;
	[sflag:s31] =	ssyncadd.s32 $0xFFFFCE80  }
0xa1: {  	[tilespmem:s17], [sflag:$0x1] =	stream.indirect.gather [hbm4b:s2+s16], $0x80, s29, s16, $0xb8;
	[tilespmem:$0xFD00] =	vst v63  }
0xa2: {  	s12 =	sadd.s32 $0x640, s14;
	s21 =	simm.s32 $0x280;
	s23 =	sadd.s32 $0x320, s14  }
0xa3: {  	[tilespmem:s18], [sflag:$0x1] =	stream.indirect.gather [hbm4b:s4+s16], $0x80, s29, s16, $0xb8;
	[tilespmem:$0xFD00] =	vst v63  }
.LBB2_6:
0xa4: {  	[tilespmem:s19], [sflag:$0x1] =	stream.linear.gather [hbm4b:s23+s3], $0x1900, $0x38;
	[tilespmem:$0xFD00] =	vst v63  }
0xa5: {  	s23 =	smov.u32 s8  }
0xa6: {  	p0 =	sne.s32 s8, $0x2A40;
	s8 =	sadd.s32 $0x340, s8;
	_ =	swait.ge [sflag:s15], $0x1C00  }
0xa7: {  	[sflag:s15] =	ssyncset.done $0x0  }
0xa8: {  	[sflag:s15] =	ssyncadd.s32 $0xFFFFE400  }
0xa9: {  	_ =	swait.ge [sflag:s15], $0x1C00  }
0xaa: {  	[sflag:s15] =	ssyncset.done $0x0  }
0xab: {  	[sflag:s15] =	ssyncadd.s32 $0xFFFFE400  }
0xac: {  	_ =	swait.ge [sflag:s15], $0x1900  }
0xad: {  	s23 =	sshra.s32 s23, $0x2;
	[sflag:s15] =	ssyncset.done $0x0  }
0xae: {  	s29 =	sadd.s32 $0xF0D0, s23;
	[sflag:s15] =	ssyncadd.s32 $0xFFFFE700  }
0xaf: {  	[hbm4b:s5+s20] =	stream.indirect.scatter [tilespmem:s19], [sflag:$0x3], $0x80, s29, s20, $0xb8;
	[tilespmem:$0xFD00] =	vst v63  }
0xb0: {  	_ = 	snop  }
0xb1: {  	[hbm4b:s6+s20] =	stream.indirect.scatter [tilespmem:s22], [sflag:$0x3], $0x80, s29, s20, $0xb8;
	[tilespmem:$0xFD00] =	vst v63  }
0xb2: {  	_ =	swait.ge [sflag:s1], $0x3180  }
0xb3: {  	[sflag:s1] =	ssyncset.done $0x0  }
0xb4: {  	[sflag:s1] =	ssyncadd.s32 $0xFFFFCE80  }
0xb5: {  	_ =	swait.ge [sflag:s1], $0x3180  }
0xb6: {  	[sflag:s1] =	ssyncset.done $0x0  }
0xb7: {  	[sflag:s1] =	ssyncadd.s32 $0xFFFFCE80  }
0xb8: {  	[tilespmem:s24], [sflag:$0x2] =	stream.indirect.gather [hbm4b:s2+s16], $0x80, s21, s16, $0xb8;
	[tilespmem:$0xFD00] =	vst v63  }
0xb9: {  	_ = 	snop  }
0xba: {  	[tilespmem:s25], [sflag:$0x2] =	stream.indirect.gather [hbm4b:s4+s16], $0x80, s21, s16, $0xb8;
	[tilespmem:$0xFD00] =	vst v63  }
0xbb: {  	_ = 	snop  }
0xbc: {  	[tilespmem:s26], [sflag:$0x2] =	stream.linear.gather [hbm4b:s12+s3], $0x1900, $0x38;
	[tilespmem:$0xFD00] =	vst v63  }
0xbd: {  	_ =	swait.ge [sflag:s28], $0x1C00  }
0xbe: {  	[sflag:s28] =	ssyncset.done $0x0  }
0xbf: {  	[sflag:s28] =	ssyncadd.s32 $0xFFFFE400  }
0xc0: {  	_ =	swait.ge [sflag:s28], $0x1C00  }
0xc1: {  	[sflag:s28] =	ssyncset.done $0x0  }
0xc2: {  	[sflag:s28] =	ssyncadd.s32 $0xFFFFE400  }
0xc3: {  	_ =	swait.ge [sflag:s28], $0x1900  }
0xc4: {  	[sflag:s28] =	ssyncset.done $0x0  }
0xc5: {  	s23 =	sadd.s32 $0xF138, s23;
	[sflag:s28] =	ssyncadd.s32 $0xFFFFE700  }
0xc6: {  	[hbm4b:s5+s20] =	stream.indirect.scatter [tilespmem:s26], [sflag:$0x4], $0x80, s23, s20, $0xb8;
	[tilespmem:$0xFD00] =	vst v63  }
0xc7: {  	_ = 	snop  }
0xc8: {  	[hbm4b:s6+s20] =	stream.indirect.scatter [tilespmem:s30], [sflag:$0x4], $0x80, s23, s20, $0xb8;
	[tilespmem:$0xFD00] =	vst v63  }
0xc9: {  	_ =	swait.ge [sflag:s31], $0x3180  }
0xca: {  	[sflag:s31] =	ssyncset.done $0x0  }
0xcb: {  	[sflag:s31] =	ssyncadd.s32 $0xFFFFCE80  }
0xcc: {  	_ =	swait.ge [sflag:s31], $0x3180  }
0xcd: {  	[sflag:s31] =	ssyncset.done $0x0  }
.Ltmp2:
0xce: {  	s23 =	sadd.s32 $0x80, s21;
	[sflag:s31] =	ssyncadd.s32 $0xFFFFCE80;
	(pc) =	sbr.rel @p0 .LBB2_6-.Ltmp2, $4  }
0xcf: {  	[tilespmem:s17], [sflag:$0x1] =	stream.indirect.gather [hbm4b:s2+s16], $0x80, s23, s16, $0xb8;
	[tilespmem:$0xFD00] =	vst v63  }
0xd0: {  	_ = 	snop  }
0xd1: {  	[tilespmem:s18], [sflag:$0x1] =	stream.indirect.gather [hbm4b:s4+s16], $0x80, s23, s16, $0xb8;
	[tilespmem:$0xFD00] =	vst v63  }
0xd2: {  	s21 =	sadd.s32 $0x100, s21;
	s23 =	sadd.s32 $0x320, s12;
	s12 =	sadd.s32 $0x640, s12  }
0xd3: {  	[tilespmem:s19], [sflag:$0x1] =	stream.linear.gather [hbm4b:s23+s3], $0x1900, $0x38;
	[tilespmem:$0xFD00] =	vst v63  }
0xd4: {  	_ =	swait.ge [sflag:s15], $0x1C00  }
0xd5: {  	[sflag:s15] =	ssyncset.done $0x0  }
0xd6: {  	[sflag:s15] =	ssyncadd.s32 $0xFFFFE400  }
0xd7: {  	_ =	swait.ge [sflag:s15], $0x1C00  }
0xd8: {  	[sflag:s15] =	ssyncset.done $0x0  }
0xd9: {  	[sflag:s15] =	ssyncadd.s32 $0xFFFFE400  }
0xda: {  	_ =	swait.ge [sflag:s15], $0x1900  }
0xdb: {  	[sflag:s15] =	ssyncset.done $0x0  }
0xdc: {  	[sflag:s15] =	ssyncadd.s32 $0xFFFFE700  }
0xdd: {  	[hbm4b:s5+s20] =	stream.indirect.scatter [tilespmem:s19], [sflag:$0x3], $0x80, s7, s20, $0xb8;
	[tilespmem:$0xFD00] =	vst v63  }
0xde: {  	_ = 	snop  }
0xdf: {  	[hbm4b:s6+s20] =	stream.indirect.scatter [tilespmem:s22], [sflag:$0x3], $0x80, s7, s20, $0xb8;
	[tilespmem:$0xFD00] =	vst v63  }
0xe0: {  	_ =	swait.ge [sflag:s1], $0x3180  }
0xe1: {  	[sflag:s1] =	ssyncset.done $0x0  }
0xe2: {  	[sflag:s1] =	ssyncadd.s32 $0xFFFFCE80  }
0xe3: {  	_ =	swait.ge [sflag:s1], $0x3180  }
0xe4: {  	[sflag:s1] =	ssyncset.done $0x0  }
0xe5: {  	[sflag:s1] =	ssyncadd.s32 $0xFFFFCE80  }
0xe6: {  	[tilespmem:s24], [sflag:$0x2] =	stream.indirect.gather [hbm4b:s2+s16], $0x80, s9, s16, $0xb8;
	[tilespmem:$0xFD00] =	vst v63  }
0xe7: {  	_ = 	snop  }
0xe8: {  	[tilespmem:s25], [sflag:$0x2] =	stream.indirect.gather [hbm4b:s4+s16], $0x80, s9, s16, $0xb8;
	[tilespmem:$0xFD00] =	vst v63  }
0xe9: {  	s8 =	rddreg [dreg:$0x7]  }
0xea: {  	[tilespmem:s26], [sflag:$0x2] =	stream.linear.gather [hbm4b:s8+s3], $0x1900, $0x38;
	[tilespmem:$0xFD00] =	vst v63  }
0xeb: {  	_ =	swait.ge [sflag:s28], $0x1C00  }
0xec: {  	[sflag:s28] =	ssyncset.done $0x0  }
0xed: {  	[sflag:s28] =	ssyncadd.s32 $0xFFFFE400  }
0xee: {  	_ =	swait.ge [sflag:s28], $0x1C00  }
0xef: {  	[sflag:s28] =	ssyncset.done $0x0  }
0xf0: {  	[sflag:s28] =	ssyncadd.s32 $0xFFFFE400  }
0xf1: {  	_ =	swait.ge [sflag:s28], $0x1900  }
0xf2: {  	[sflag:s28] =	ssyncset.done $0x0  }
0xf3: {  	[sflag:s28] =	ssyncadd.s32 $0xFFFFE700  }
0xf4: {  	[hbm4b:s5+s20] =	stream.indirect.scatter [tilespmem:s26], [sflag:$0x4], $0x80, s10, s20, $0xb8;
	[tilespmem:$0xFD00] =	vst v63  }
0xf5: {  	_ = 	snop  }
0xf6: {  	[hbm4b:s6+s20] =	stream.indirect.scatter [tilespmem:s30], [sflag:$0x4], $0x80, s10, s20, $0xb8;
	[tilespmem:$0xFD00] =	vst v63  }
0xf7: {  	_ =	swait.ge [sflag:s31], $0x3180  }
0xf8: {  	[sflag:s31] =	ssyncset.done $0x0  }
0xf9: {  	[sflag:s31] =	ssyncadd.s32 $0xFFFFCE80  }
0xfa: {  	_ =	swait.ge [sflag:s31], $0x3180  }
0xfb: {  	[sflag:s31] =	ssyncset.done $0x0  }
0xfc: {  	[sflag:s31] =	ssyncadd.s32 $0xFFFFCE80  }
0xfd: {  	_ =	swait.ge [sflag:s1], $0x3180  }
0xfe: {  	[sflag:s1] =	ssyncset.done $0x0  }
0xff: {  	[sflag:s1] =	ssyncadd.s32 $0xFFFFCE80  }
0x100: {  	_ =	swait.ge [sflag:s1], $0x3180  }
0x101: {  	s11 =	sadd.s32 $0x1, s11;
	s29 =	rddreg [dreg:$0x8]  }
0x102: {  	p0 =	sne.s32 s11, s29  }
.Ltmp3:
0x103: {  	_ = 	snop;
	(pc) =	sbr.rel @p0 .LBB2_1-.Ltmp3, $3  }
0x104: {  	_ =	sdelay $0x1  }
0x105: {  	[sflag:s1] =	ssyncset.done $0x0  }
0x106: {  	[sflag:s1] =	ssyncadd.s32 $0xFFFFCE80  }
0x107: {  	_ =	sfence.sel $0x180000  }
0x108: {  	[bflag:$0x0] =	sbarrier.arrive $0xFFFF  }
0x109: {  	_ =	strace $0x90000047  }
0x10a: {  	s0 =	stileid.u32;
	[bflag:$0x2] =	sbarrier.arrive $0xFFFF  }
0x10b: {  	p0 =	sne.s32 s0, $0x0;
	s0 =	rddreg [dreg:$0x2]  }
0x10c: {  	s0 =	sadd.s32 @!p0 $0x100000, s0  }
0x10d: {  	[sflag:s0] =	ssyncadd.tile.s32 @!p0 $0x1;
	_ =	shalt  }
.Lfunc_end2:
_tile_overlayer_lowered:
.L_overlay_start_2:
0x10e: {  	(tag) =	ssettag $0x2  }
0x10f: {  	s0 =	rddreg [dreg:$0x0];
	s2 =	stileid.u32  }
0x110: {  	s1 =	rddreg [dreg:$0x1];
	p0 =	sne.s32 s2, $0x0  }
0x111: {  	s3 =	rddreg [dreg:$0x2];
	[bflag:$0x3] =	sbarrier.arrive $0xFFFF;
	s2 =	simm.s32 @!p0 $0x1C01  }
0x112: {  	[timem:s3], [sflag:s2] =	dma.local @!p0 [hbm:s0], s1  }
0x113: {  	s0 =	simm.s32 @!p0 $0x1  }
0x114: {  	_ =	swait.ge @!p0 [sflag:s0], s1  }
0x115: {  	s1 =	ssub.s32 @!p0 $0x0, s1;
	[sflag:s0] =	ssyncset.done @!p0 $0x0  }
0x116: {  	[sflag:s0] =	ssyncadd.s32 @!p0 s1  }
0x117: {  	[bflag:$0x3] =	sbarrier.arrive $0xFFFF  }
0x118: {  	_ =	shalt  }

// kernel: sparse-core-data-format-call.cloned.1.call-start
scs
called_computation_lowered:
.L_overlay_start_0:
0x0: {  	s2 =	sld [smem:$0x3FD9]  }
0x1: {  	s3 =	sld [smem:$0x3FFE];
	_ =	sdelay $0x1  }
0x2: {  	s1 =	srdreg.scid  }
0x3: {  	s0 =	sand.u32 $0x1, s1  }
0x4: {  	s18 =	sshll.u32 s0, $0xA;
	s2 =	sadd.s32 s3, s2  }
0x5: {  	s2 =	sadd.s32 s2, s18  }
0x6: {  	[smem:$0x3FC5] =	sst s2  }
0x7: {  	_ = 	snop  }
0x8: {  	s2 =	sld [smem:$0x3FD0];
	(tm) =	ssettm $0x1  }
0x9: {  	s19 =	sld [smem:$0x3FFB];
	_ =	sdelay $0x3  }
0xa: {  	_ =	strace s19  }
0xb: {  	s3 =	sld [smem:$0x3FFC];
	_ =	sdelay $0x3  }
0xc: {  	_ =	strace s3  }
0xd: {  	s3 =	sld [smem:$0x3FFD];
	_ =	sdelay $0x3  }
0xe: {  	_ =	strace s3  }
0xf: {  	_ =	strace $0x8FFFFFFF  }
0x10: {  	s20 =	sld [smem:$0x3FDB];
	_ =	sdelay $0x1  }
0x11: {  	s4 =	simm.s32 $_scs_section_size  }
0x12: {  	s5 =	simm.s32 $_size__tile_overlayer_lowered;
	s6 =	simm.s32 $_tile_overlayer_lowered  }
0x13: {  	s23 =	simm.s32 $0x1BFF;
	s22 =	sshll.u32 s6, $0x1;
	s3 =	sadd.s32 s4, s20  }
0x14: {  	s7 =	simm.s32 $0x0;
	s21 =	sshll.u32 s5, $0x1;
	s5 =	sadd.s32 s22, s3  }
0x15: {  	[timem:s7], [sflag:s23] =	dma.local [hbm:s5], s21  }
0x16: {  	_ =	swait.ge [sflag:s23], s21  }
0x17: {  	s4 =	ssub.s32 $0x0, s21;
	[sflag:s23] =	ssyncset.done $0x0  }
0x18: {  	[sflag:s23] =	ssyncadd.s32 s4;
	_ =	sdelay $0x1  }
0x19: {  	s24 =	simm.s32 $0x1B8B  }
0x1a: {  	_ =	swait.ge [sflag:s24], $0x1  }
0x1b: {  	[sflag:s24] =	ssyncset.done $0x0  }
0x1c: {  	s26 =	simm.s32 $0x1B8E;
	s25 =	sld [smem:$0x3FFE];
	[sflag:s24] =	ssyncadd.s32 $0xFFFFFFFF  }
0x1d: {  	s27 =	simm.s32 $execute0_lowered;
	[smem:$0x3FD2] =	sst s26  }
0x1e: {  	s5 =	sshll.u32 s27, $0x1;
	_ =	strace $0x80000049;
	[dreg:$0x1] =	wrdreg $0xFFFFFFFF  }
0x1f: {  	s28 =	simm.s32 $_size_execute0_lowered;
	s3 =	sadd.s32 s3, s5;
	[dreg:$0x0] =	wrdreg $0x0  }
0x20: {  	s5 =	sshll.u32 s28, $0x1;
	[dreg:$0x2] =	wrdreg s3  }
0x21: {  	[dreg:$0x3] =	wrdreg s5  }
0x22: {  	[dreg:$0x4] =	wrdreg $0xC0  }
0x23: {  	_ =	task [dreg:s7], $0x5FFFF  }
0x24: {  	[dreg:$0x1] =	wrdreg $0xFFFFFFFF  }
0x25: {  	[dreg:$0x0] =	wrdreg $0x60  }
0x26: {  	[dreg:$0x2] =	wrdreg s25  }
0x27: {  	[dreg:$0x3] =	wrdreg s2  }
0x28: {  	[dreg:$0x4] =	wrdreg $0x9  }
0x29: {  	_ =	task.clear_ibuf [dreg:s7], $0x5FFFF;
	_ =	strace $0x90000049  }
0x2a: {  	s29 =	simm.s32 $0x9;
	_ =	strace $0x8000004B  }
0x2b: {  	_ =	swait.ge [sflag:s29], $0x1  }
0x2c: {  	[sflag:s29] =	ssyncadd.s32 $0xFFFFFFFF  }
0x2d: {  	_ =	strace $0x9000004B  }
0x2e: {  	_ =	sfence  }
0x2f: {  	s30 =	sld [smem:$0x0];
	_ =	sdelay $0x2  }
0x30: {  	s31 =	sshll.u32 s1, $0xD;
	s1 =	sshrl.u32 s1, $0x2  }
0x31: {  	s3 =	sand.u32 $0x4000, s31;
	s1 =	sadd.s32 s1, s30  }
0x32: {  	s0 =	sor.u32 s3, s0;
	s1 =	sshll.u32 s1, $0x11  }
0x33: {  	s0 =	sor.u32 s1, s0  }
0x34: {  	s0 =	sadd.s32 $0x8F2B, s0  }
0x35: {  	[sflag:s0] =	ssyncadd.remote.s32 $0x1  }
0x36: {  	_ =	sfence.sel $0xFFFF  }
0x37: {  	[dreg:$0x0] =	wrdreg $0xFFFFFFFF;
	(pc) =	sbr.abs _section_cstart, $3  }
0x38: {  	[dreg:$0x1] =	wrdreg $0xFFFFFFFF  }
0x39: {  	_ =	task.clear_ibuf [dreg:s7], $0x2FFFF;
	_ =	strace $0x9FFFFFFF  }
0x3a: {  	(tm) =	ssettm $0x7FFFFFFF  }
0x3b: {  	_ =	shalt  }
tec
execute0_lowered:
.L_overlay_start_1:
0x0: {  	(tag) =	ssettag $0x1  }
0x1: {  	s4 =	rddreg [dreg:$0x0]  }
0x2: {  	s2 =	rddreg [dreg:$0x1]  }
0x3: {  	s0 =	stileid.u32;
	s1 =	rddreg [dreg:$0x2];
	_ =	strace $0x8000004A  }
0x4: {  	s8 =	simm.s32 $0x32;
	s9 =	srdreg.scid;
	s31 =	simm.s32 $0x2  }
0x5: {  	s18 =	simm.s32 $0x0;
	s11 =	simm.s32 $0x2000;
	s19 =	simm.s32 $0x0  }
0x6: {  	s20 =	simm.s32 $0x0;
	s12 =	simm.s32 $0x0;
	s3 =	sshll.u32 s0, $0x7  }
0x7: {  	s13 =	simm.s32 $0x0;
	s14 =	simm.s32 $0x0;
	s3 =	sand.u32 $0x380, s3  }
0x8: {  	s17 =	simm.s32 $0x0;
	s4 =	sadd.s32 $0x318E00, s4;
	s6 =	ssub.s32 $0x400, s3  }
0x9: {  	s5 =	sshrl.u32 s0, $0x3;
	s9 =	sshll.u32 s9, $0x7;
	s7 =	sand.u32 $0x380, s6  }
0xa: {  	s6 =	sshrl.u32 s6, $0xA;
	p0 =	sne.s32 s7, $0x0;
	s7 =	simm.s32 $0x1  }
.Ltmp0:
0xb: {  	s7 =	simm.s32 @!p0 $0x0;
	p0 =	seq.s32 s5, $0x0;
	(pc) =	sbr.rel .LBB1_1-.Ltmp0, $4  }
0xc: {  	s15 =	smov.u32 s5;
	s7 =	sadd.s32 s7, s6;
	s8 =	simm.s32 @!p0 $0x31  }
0xd: {  	s16 =	smov.u32 s3;
	s6 =	simm.s32 $0x1;
	s7 =	smul.u32 s8, s7  }
0xe: {  	p0 =	por $0x0, $0x0;
	s8 =	sand.u32 $0x80, s9;
	[sflag:s6] =	ssyncpa.u1 $0x0  }
0xf: {  	[sflag:s31] =	ssyncpa.u1 $0x0;
	s9 =	sshll.u32 s8, $0x3;
	s10 =	sadd.s32 $0x1, s7  }
.LBB1_4:
0x10: {  	s25 =	sshra.s32 s25, $0x2;
	s26 =	sshrl.u32 s14, $0x7;
	p1 =	sgt.s32 s14, $0x380  }
0x11: {  	s27 =	sshra.s32 s14, $0x1F;
	s29 =	smov.u32 s13;
	s31 =	sshra.s32 s13, $0x1F  }
0x12: {  	s24 =	sadd.s32 s25, s24;
	s30 =	sadd.s32 s26, s12;
	s26 =	smov.u32 s14  }
0x13: {  	v5 =	vld [tilespmem:s22+$0xFFFFFFD0];
	[tilespmem:s23+$0x2040 ss:$0x81] =	vst.msk $0xffff, v4;
	s27 =	sand.u32 s27, s14;
	s25 =	sand.u32 $0x3FFFFF, s30;
	s26 =	simm.s32 @!p1 $0x380  }
0x14: {  	v58 =	vld [tilespmem:s22+$0xFFFFFFE0];
	[tilespmem:s23+$0x2850 ss:$0x81] =	vst.msk $0xffff, v3;
	p1 =	sgt.s32 s13, $0x62;
	s28 =	smulhi.u32 $0x1642C86, s25;
	s26 =	ssub.s32 s26, s27  }
0x15: {  	v59 =	vld [tilespmem:s22+$0xFFFFFFF0];
	[tilespmem:s23+$0x3060 ss:$0x81] =	vst.msk $0xffff, v2;
	s29 =	simm.s32 @!p1 $0x62;
	s27 =	sand.u32 s31, s13;
	p1 =	sgt.s32 s12, $0x38  }
0x16: {  	v60 =	vld [tilespmem:s22+$0x0];
	[tilespmem:s23+$0x0 ss:$0x81] =	vst.msk $0xffff, v1;
	s23 =	ssub.s32 s29, s27;
	s27 =	smov.u32 s12;
	s30 =	sadd.s32 $0xFFFFFC80, s26  }
0x17: {  	v61 =	vld [tilespmem:s22+$0x10];
	[tilespmem:s24+$0x3870 ss:$0x81] =	vst.msk $0xffff, v0;
	s26 =	ssub.s32 $0x400, s26;
	s27 =	simm.s32 @!p1 $0x38;
	p1 =	sgt.s32 s30, $0x7F  }
0x18: {  	v62 =	vld [tilespmem:s22+$0x20];
	s28 =	smul.u32 $0xB8, s28;
	[tilespmem:s24+$0x810 ss:$0x81] =	vst.msk $0xffff, v5;
	s27 =	ssub.s32 $0xB8, s27;
	s26 =	simm.s32 @p1 $0x0  }
0x19: {  	v63 =	vld [tilespmem:s22+$0xFFFFFFC0];
	s29 =	sand.u32 $0x7, s14;
	s31 =	sadd.s32 $0xFFFFFF9E, s23;
	[tilespmem:s24+$0x1020 ss:$0x81] =	vst.msk $0xffff, v58;
	s26 =	smul.u32 s27, s26  }
0x1a: {  	s22 =	ssub.s32 $0x63, s23;
	[tilespmem:s24+$0x1830 ss:$0x81] =	vst.msk $0xffff, v59;
	p1 =	sgt.s32 s31, $0x0;
	s27 =	smul.u32 $0x5C00, s13  }
0x1b: {  	[tilespmem:s24+$0x2040 ss:$0x81] =	vst.msk $0xffff, v60;
	s22 =	simm.s32 @p1 $0x0;
	s25 =	ssub.s32 s25, s28;
	s28 =	sshrl.u32 s14, $0x3  }
0x1c: {  	[tilespmem:s24+$0x2850 ss:$0x81] =	vst.msk $0xffff, v61;
	s23 =	sand.u32 $0xF, s28;
	s22 =	smul.u32 s22, s26;
	s26 =	sadd.s32 s2, s27  }
0x1d: {  	[tilespmem:s24+$0x3060 ss:$0x81] =	vst.msk $0xffff, v62;
	s30 =	sshll.u32 s29, $0x12;
	s25 =	sshll.u32 s25, $0x7;
	s23 =	sadd.s32 s23, s26  }
0x1e: {  	[tilespmem:s24+$0x0 ss:$0x81] =	vst.msk $0xffff, v63;
	s31 =	sor.u32 $0x400, s30;
	s22 =	sand.u32 $0x3FFFFFFF, s22;
	s23 =	sadd.s32 s25, s23  }
0x1f: {  	[hbm4b:s23+s31] =	stream.strided.scatter [tilespmem:s21], [sflag:$0x2], s22, s11, s31, $0x20;
	[tilespmem:$0x10100] =	vst v63  }
.LBB1_5:
0x20: {  	p1 =	slt.u32 s17, $0x2;
	s21 =	smov.u32 s19  }
0x21: {  	s22 =	smov.u32 s20;
	p2 =	sgt.s32 @!p1 s19, $0x62;
	p3 =	sgt.s32 @!p1 s20, $0x380  }
0x22: {  	s23 =	sshra.s32 @!p1 s20, $0x1F;
	p2 =	por !p2, p1;
	p3 =	por !p3, p1  }
0x23: {  	s20 =	sand.u32 @!p1 s23, s20;
	s21 =	simm.s32 @p2 $0x62;
	s22 =	simm.s32 @p3 $0x380  }
0x24: {  	p2 =	sgt.s32 @!p1 s18, $0x38;
	s20 =	ssub.s32 @!p1 s22, s20;
	s22 =	sshra.s32 @!p1 s19, $0x1F  }
0x25: {  	p2 =	por !p2, p1;
	s19 =	sand.u32 @!p1 s22, s19;
	s22 =	sadd.s32 @!p1 $0xFFFFFC80, s20  }
0x26: {  	s18 =	simm.s32 @p2 $0x38;
	s19 =	ssub.s32 @!p1 s21, s19;
	p2 =	sgt.s32 @!p1 s22, $0x7F  }
0x27: {  	s20 =	ssub.s32 @!p1 $0x400, s20;
	s21 =	sadd.s32 @!p1 $0xFFFFFF9E, s19;
	p2 =	por !p2, p1  }
0x28: {  	s18 =	ssub.s32 @!p1 $0xB8, s18;
	s20 =	simm.s32 @!p2 $0x0;
	p2 =	sgt.s32 @!p1 s21, $0x0  }
0x29: {  	s19 =	ssub.s32 @!p1 $0x63, s19;
	p2 =	por !p2, p1;
	s18 =	smul.u32 @!p1 s18, s20  }
0x2a: {  	s23 =	smov.u32 s16;
	s21 =	sadd.s32 $0x2, s15;
	s19 =	simm.s32 @!p2 $0x0  }
0x2b: {  	p2 =	sgt.s32 s21, $0x62;
	s18 =	smul.u32 @!p1 s19, s18;
	s19 =	sadd.s32 $0x400, s16  }
0x2c: {  	s25 =	sadd.s32 $0x1, s17;
	s23 =	smov.u32 @p2 s19  }
0x2d: {  	p0 =	por !p0, !p0;
	s21 =	smov.u32 @p2 s5;
	p2 =	sgt.s32 s23, $0x3FF  }
0x2e: {  	s22 =	simm.s32 @!p1 $0x2;
	s23 =	smov.u32 @p2 s3;
	p2 =	sne.s32 s17, s10  }
.Ltmp1:
0x2f: {  	s20 =	smov.u32 s14;
	s14 =	smov.u32 s16;
	(pc) =	sbr.rel @!p2 .LBB1_6-.Ltmp1, $4  }
0x30: {  	s19 =	smov.u32 s13;
	s13 =	smov.u32 s15;
	s18 =	sand.u32 @!p1 $0x3FFFFFFF, s18  }
0x31: {  	s15 =	smov.u32 s21;
	_ =	swait.ge @!p1 [sflag:s22], s18;
	s24 =	ssub.s32 @!p1 $0x0, s18  }
0x32: {  	s18 =	smov.u32 s12;
	s12 =	smov.u32 s8;
	[sflag:s22] =	ssyncset.done @!p1 $0x0  }
0x33: {  	s17 =	smov.u32 s25;
	s16 =	smov.u32 s23;
	[sflag:s22] =	ssyncadd.s32 @!p1 s24  }
.LBB1_1:
0x34: {  	p1 =	sge.u32 s17, s7  }
0x35: {  	s21 =	sshll.u32 @!p1 s15, $0x8  }
0x36: {  	s22 =	sshll.u32 @!p1 s15, $0x7;
	s21 =	sand.u32 @!p1 $0xFFFFF800, s21  }
0x37: {  	s22 =	sand.u32 @!p1 $0x300, s22;
	s21 =	sor.u32 @!p1 s9, s21  }
0x38: {  	s21 =	sor.u32 @!p1 s22, s21  }
0x39: {  	s21 =	sshrl.u32 @!p1 s21, $0x8  }
0x3a: {  	s22 =	smulhi.u32 @!p1 $0x2762763, s21;
	_ =	sdelay $0x1  }
0x3b: {  	s22 =	smul.u32 @!p1 $0x68, s22  }
0x3c: {  	s31 =	sadd.s32 $0xFFFFFFFF, s17;
	s23 =	smul.u32 @!p1 $0xD00, s16  }
0x3d: {  	s24 =	sxor.u32 @!p1 $0xFFFFFFFF, s17;
	s21 =	ssub.s32 @!p1 s21, s22;
	s22 =	sshll.u32 @!p1 s15, $0x4  }
0x3e: {  	s24 =	sshll.u32 @!p1 s24, $0xE;
	s23 =	sadd.s32 @!p1 s4, s23;
	s22 =	sand.u32 @!p1 $0x10, s22  }
0x3f: {  	s24 =	sand.u32 @!p1 $0x4000, s24;
	s21 =	sshll.u32 @!p1 s21, $0x5;
	s22 =	sadd.s32 @!p1 s22, s23  }
0x40: {  	s23 =	simm.s32 @!p1 $0x6800;
	s21 =	sadd.s32 @!p1 s21, s22;
	s22 =	simm.s32 @!p1 $0x80  }
0x41: {  	[tilespmem:s24], [sflag:$0x1] =	stream.strided.gather @!p1 [hbm4b:s21+s22], $0x4000, s23, s22, $0x38;
	[tilespmem:$0x10100] =	vst v63  }
0x42: {  	p1 =	sge.u32 s31, s7  }
.Ltmp2:
0x43: {  	_ = 	snop;
	(pc) =	sbr.rel @p1 .LBB1_5-.Ltmp2, $1  }
0x44: {  	_ =	sdelay $0x3  }
0x45: {  	s21 =	simm.s32 $0x1  }
0x46: {  	_ =	swait.ge [sflag:s6], $0x4000;
	s21 =	simm.s32 @!p0 $0x0  }
0x47: {  	[sflag:s6] =	ssyncset.done $0x0;
	s22 =	sshll.u32 s21, $0xE  }
0x48: {  	[sflag:s6] =	ssyncadd.s32 $0xFFFFC000;
	s22 =	sor.u32 $0x40, s22  }
0x49: {  	s21 =	smul.u32 $0x10200, s21;
	v0 =	vld [tilespmem:s22+$0x30]  }
0x4a: {  	v1 =	vld [tilespmem:s22+$0xFFFFFFD0]  }
0x4b: {  	s21 =	sshrl.u32 s21, $0x2;
	v5 =	vld [tilespmem:s22+$0xFFFFFFE0]  }
0x4c: {  	v6 =	vld [tilespmem:s22+$0xFFFFFFF0];
	s24 =	sor.u32 $0x8000, s21  }
0x4d: {  	s31 =	sand.u32 $0x1, s17;
	v4 =	vld [tilespmem:s22+$0x0];
	s23 =	sadd.s32 $0x0, s24  }
0x4e: {  	v3 =	vld [tilespmem:s22+$0x10];
	s21 =	smul.u32 $0x10200, s31;
	[tilespmem:s23+$0x3870 ss:$0x81] =	vst.msk $0xffff, v0  }
0x4f: {  	v2 =	vld [tilespmem:s22+$0x20];
	[tilespmem:s23+$0x810 ss:$0x81] =	vst.msk $0xffff, v1  }
0x50: {  	s21 =	sshrl.u32 s21, $0x2;
	v1 =	vld [tilespmem:s22+$0xFFFFFFC0];
	[tilespmem:s23+$0x1020 ss:$0x81] =	vst.msk $0xffff, v5;
	s22 =	sadd.s32 $0x80, s22  }
0x51: {  	s25 =	simm.s32 $0x4;
	s26 =	simm.s32 $0x8;
	s21 =	sor.u32 $0x8000, s21;
	[tilespmem:s23+$0x1830 ss:$0x81] =	vst.msk $0xffff, v6;
	v0 =	vld [tilespmem:s22+$0x30]  }
.LBB1_3:
0x52: {  	p1 =	sne.s32 s26, $0x1FC;
	v5 =	vld [tilespmem:s22+$0xFFFFFFD0];
	[tilespmem:s23+$0x2040 ss:$0x81] =	vst.msk $0xffff, v4  }
0x53: {  	v6 =	vld [tilespmem:s22+$0xFFFFFFE0];
	[tilespmem:s23+$0x2850 ss:$0x81] =	vst.msk $0xffff, v3  }
0x54: {  	s27 =	sshra.s32 s25, $0x2;
	s25 =	smov.u32 s26;
	v7 =	vld [tilespmem:s22+$0xFFFFFFF0];
	[tilespmem:s23+$0x3060 ss:$0x81] =	vst.msk $0xffff, v2  }
.Ltmp3:
0x55: {  	v4 =	vld [tilespmem:s22+$0x0];
	[tilespmem:s23+$0x0 ss:$0x81] =	vst.msk $0xffff, v1;
	s23 =	sadd.s32 s27, s24;
	(pc) =	sbr.rel @p1 .LBB1_3-.Ltmp3, $4  }
0x56: {  	v3 =	vld [tilespmem:s22+$0x10];
	[tilespmem:s23+$0x3870 ss:$0x81] =	vst.msk $0xffff, v0  }
0x57: {  	[tilespmem:s23+$0x810 ss:$0x81] =	vst.msk $0xffff, v5;
	v2 =	vld [tilespmem:s22+$0x20]  }
0x58: {  	v1 =	vld [tilespmem:s22+$0xFFFFFFC0];
	[tilespmem:s23+$0x1020 ss:$0x81] =	vst.msk $0xffff, v6;
	s22 =	sadd.s32 $0x80, s22  }
0x59: {  	s26 =	sadd.s32 $0x4, s26;
	v0 =	vld [tilespmem:s22+$0x30];
	[tilespmem:s23+$0x1830 ss:$0x81] =	vst.msk $0xffff, v7  }
.Ltmp4:
0x5a: {  	_ = 	snop;
	(pc) =	sbr.rel .LBB1_4-.Ltmp4, $1  }
0x5b: {  	_ =	sdelay $0x3  }
.LBB1_6:
0x5c: {  	_ =	sfence.sel $0x180000  }
0x5d: {  	s2 =	simm.s32 $0x1;
	[bflag:$0x0] =	sbarrier.arrive $0xFFFF  }
0x5e: {  	s31 =	simm.s32 $0x2;
	[sflag:s2] =	ssyncpa.u1 $0x1  }
0x5f: {  	[sflag:s31] =	ssyncpa.u1 $0x1  }
0x60: {  	p0 =	sne.s32 s0, $0x0;
	_ =	strace $0x9000004A  }
0x61: {  	s0 =	sadd.s32 @!p0 $0x100000, s1;
	[bflag:$0x2] =	sbarrier.arrive $0xFFFF  }
0x62: {  	[sflag:s0] =	ssyncadd.tile.s32 @!p0 $0x1;
	_ =	shalt  }
.Lfunc_end1:
_tile_overlayer_lowered:
.L_overlay_start_2:
0x63: {  	(tag) =	ssettag $0x2  }
0x64: {  	s0 =	rddreg [dreg:$0x0];
	s2 =	stileid.u32  }
0x65: {  	s1 =	rddreg [dreg:$0x1];
	p0 =	sne.s32 s2, $0x0  }
0x66: {  	s3 =	rddreg [dreg:$0x2];
	[bflag:$0x3] =	sbarrier.arrive $0xFFFF;
	s2 =	simm.s32 @!p0 $0x1C01  }
0x67: {  	[timem:s3], [sflag:s2] =	dma.local @!p0 [hbm:s0], s1  }
0x68: {  	s0 =	simm.s32 @!p0 $0x1  }
0x69: {  	_ =	swait.ge @!p0 [sflag:s0], s1  }
0x6a: {  	s1 =	ssub.s32 @!p0 $0x0, s1;
	[sflag:s0] =	ssyncset.done @!p0 $0x0  }
0x6b: {  	[sflag:s0] =	ssyncadd.s32 @!p0 s1  }
0x6c: {  	[bflag:$0x3] =	sbarrier.arrive $0xFFFF  }
0x6d: {  	_ =	shalt  }

</sc_bundles>
